<compile_context>
chip_gen: v7x
topology: tpu7x:2x2x1
jax: 0.10.2.dev20260603
libtpu: 0.0.44.dev20260713+nightly
codegen_flags: <defaults>
</compile_context>

<pallas_src>
import jax
import jax.numpy as jnp
from jax import lax
from jax.experimental import pallas as pl
from jax.experimental.pallas import tpu as pltpu
from jax.experimental.pallas import tpu_sc as plsc

_BATCH = 4096
_NUM_SAMPLES = 1024
_DIM = 64
_ROW = _DIM + 1
_TINY = 1e-13

_NUM_CORES = 2
_NUM_SUBCORES = 16
_NUM_WORKERS = _NUM_CORES * _NUM_SUBCORES
_LANES = 128
_NBUF = 8

_BLK = 1024


def _make_sc_gather(t_off, t_count, s_count):
    total = t_count + s_count
    ipw = total // _NUM_WORKERS
    assert ipw * _NUM_WORKERS == total and ipw % _NBUF == 0
    nchunk = ipw // _NBUF
    w_split = t_count // ipw
    t_split = t_count - w_split * ipw

    def body(tgt_hbm, smp_hbm, tableT_hbm, out_hbm, ids_v, stage_v,
             out_sem, *bufs_and_sems):
        blks = bufs_and_sems[:_NBUF]
        sems = bufs_and_sems[_NBUF:]
        wid = lax.axis_index("s") * _NUM_CORES + lax.axis_index("c")
        base = wid * ipw

        if s_count == 0:
            pltpu.sync_copy(tgt_hbm.at[pl.ds(t_off + base, ipw)],
                            ids_v.at[pl.ds(0, ipw)])
        else:
            @pl.when(wid < w_split)
            def _load_targets():
                pltpu.sync_copy(tgt_hbm.at[pl.ds(t_off + base, ipw)],
                                ids_v.at[pl.ds(0, ipw)])

            @pl.when(wid == w_split)
            def _load_straddle():
                pltpu.sync_copy(tgt_hbm.at[pl.ds(t_off + base, t_split)],
                                ids_v.at[pl.ds(0, t_split)])
                pltpu.sync_copy(smp_hbm.at[pl.ds(0, ipw - t_split)],
                                ids_v.at[pl.ds(t_split, ipw - t_split)])

            @pl.when(wid > w_split)
            def _load_samples():
                pltpu.sync_copy(smp_hbm.at[pl.ds(base - t_count, ipw)],
                                ids_v.at[pl.ds(0, ipw)])

        def issue(col, k):
            aligned = pl.multiple_of(col & -_LANES, _LANES)
            pltpu.async_copy(
                tableT_hbm.at[:, pl.ds(aligned, _LANES)],
                blks[k].at[pl.ds(0, _ROW)],
                sems[k],
            )

        idvec0 = ids_v[pl.ds(0, 16)]
        for k in range(_NBUF):
            issue(idvec0[k], k)

        @pl.loop(0, nchunk)
        def _step(ch):
            idvec_cur = ids_v[pl.ds(ch * _NBUF, 16)]
            idvec_nxt = ids_v[pl.ds((ch + 1) * _NBUF, 16)]
            for k in range(_NBUF):
                pltpu.make_async_copy(
                    tableT_hbm.at[:, pl.ds(0, _LANES)],
                    blks[k].at[pl.ds(0, _ROW)],
                    sems[k],
                ).wait()
                lane = jnp.broadcast_to(idvec_cur[k] & (_LANES - 1), (16,))
                for c in range(5):
                    rows = c * 16 + lax.iota(jnp.int32, 16)
                    vals = plsc.load_gather(blks[k], [rows, lane])
                    stage_v.at[ch * _NBUF + k, pl.ds(c * 16, 16)][...] = vals
                pltpu.async_copy(
                    stage_v.at[ch * _NBUF + k, pl.ds(0, _ROW)],
                    out_hbm.at[base + ch * _NBUF + k],
                    out_sem,
                )

                @pl.when(ch < nchunk - 1)
                def _next():
                    issue(idvec_nxt[k], k)

        @pl.loop(0, ipw)
        def _drain(j):
            pltpu.make_async_copy(
                stage_v.at[0, pl.ds(0, _ROW)], out_hbm.at[base],
                out_sem).wait()

    def run(targets, samples, tableT):
        return pl.kernel(
            body,
            out_type=jax.ShapeDtypeStruct((total, _ROW), jnp.float32),
            mesh=plsc.VectorSubcoreMesh(
                core_axis_name="c", subcore_axis_name="s"),
            scratch_types=(
                [
                    pltpu.VMEM((ipw + 16,), jnp.int32),
                    pltpu.VMEM((ipw, 80), jnp.float32),
                    pltpu.SemaphoreType.DMA,
                ]
                + [pltpu.VMEM((80, _LANES), jnp.float32)] * _NBUF
                + [pltpu.SemaphoreType.DMA] * _NBUF
            ),
            compiler_params=pltpu.CompilerParams(
                use_tc_tiling_on_sc=True, needs_layout_passes=False),
        )(targets, samples, tableT)

    return run


_sc_gather_all = _make_sc_gather(0, _BATCH, _NUM_SAMPLES)


def _loss_body(ext_ref, trow_ref, srow_ref, tgt_ref, smp_ref, tec_ref,
               sec_ref, out_ref):
    i = pl.program_id(0)
    ext = ext_ref[...]
    trow = trow_ref[...]
    srow = srow_ref[...]
    t_logit = (jnp.sum(ext * trow, axis=1, keepdims=True)
               - jnp.log(tec_ref[...] + _TINY))
    s_log = lax.dot_general(
        ext.astype(jnp.bfloat16), srow.astype(jnp.bfloat16),
        (((1,), (1,)), ((), ())),
        preferred_element_type=jnp.float32)
    s_log = s_log - jnp.log(sec_ref[...] + _TINY)
    s_log = jnp.where(tgt_ref[...] == smp_ref[...], -10000.0, s_log)
    m = jnp.maximum(jnp.max(s_log, axis=1, keepdims=True), t_logit)
    ssum = (jnp.sum(jnp.exp(s_log - m), axis=1, keepdims=True)
            + jnp.exp(t_logit - m))
    lse = m + jnp.log(ssum)
    partial = jnp.sum(lse - t_logit)

    @pl.when(i == 0)
    def _init():
        out_ref[0, 0] = 0.0

    out_ref[0, 0] += partial


def kernel(embeddings, targets, samples, target_expected_count,
           sampled_expected_count, table):
    rows = _sc_gather_all(targets, samples, table.T)

    ones = jnp.ones((_BATCH, 1), jnp.float32)
    ext = jnp.concatenate([ones, embeddings], axis=1)

    grid = _BATCH // _BLK
    out = pl.pallas_call(
        _loss_body,
        grid=(grid,),
        in_specs=[
            pl.BlockSpec((_BLK, _ROW), lambda i: (i, 0)),
            pl.BlockSpec((_BLK, _ROW), lambda i: (i, 0)),
            pl.BlockSpec((_NUM_SAMPLES, _ROW),
                         lambda i: (_BATCH // _NUM_SAMPLES, 0)),
            pl.BlockSpec((_BLK, 1), lambda i: (i, 0)),
            pl.BlockSpec((1, _NUM_SAMPLES), lambda i: (0, 0)),
            pl.BlockSpec((_BLK, 1), lambda i: (i, 0)),
            pl.BlockSpec((1, _NUM_SAMPLES), lambda i: (0, 0)),
        ],
        out_specs=pl.BlockSpec(memory_space=pltpu.SMEM),
        out_shape=jax.ShapeDtypeStruct((1, 1), jnp.float32),
    )(
        ext,
        rows,
        rows,
        targets.reshape(_BATCH, 1),
        samples.reshape(1, _NUM_SAMPLES),
        target_expected_count.reshape(_BATCH, 1),
        sampled_expected_count.reshape(1, _NUM_SAMPLES),
    )
    return out[0, 0]

# --- scband reference (transcript-rebuilt; emitter-appended) ---
"""Pipeline reference for scband-pssampled-softmax-loss-65446711656779 (READ-ONLY COPY).

The authoritative reference and input builder live on the scoring server;
editing this copy changes nothing except your own understanding.
"""

import jax, jax.numpy as jnp
import numpy as np

NUM_EMBEDDINGS = 1000000
EMBEDDING_DIM = 64
BATCH = 4096
NUM_SAMPLES = 1024
TINY = 1e-13  # util.tiny_value_of_dtype(float32)

def setup_inputs(seed: int = 0) -> dict:
    key = jax.random.key(seed)
    k1, k2, k3, k4, k5, k6 = jax.random.split(key, 6)
    embeddings = jax.random.normal(k1, (BATCH, EMBEDDING_DIM), dtype=jnp.float32)
    targets = jax.random.randint(k2, (BATCH,), 0, NUM_EMBEDDINGS, dtype=jnp.int64 if jax.config.jax_enable_x64 else jnp.int32).astype(jnp.int32)
    samples = jax.random.randint(k3, (NUM_SAMPLES,), 0, NUM_EMBEDDINGS, dtype=jnp.int64 if jax.config.jax_enable_x64 else jnp.int32).astype(jnp.int32)
    target_expected_count = jax.random.uniform(k4, (BATCH,), dtype=jnp.float32)
    sampled_expected_count = jax.random.uniform(k5, (NUM_SAMPLES,), dtype=jnp.float32)
    # PS-backed embedding table: num_embeddings x (embedding_dim + 1); col 0 is bias
    table = jax.random.normal(k6, (NUM_EMBEDDINGS, EMBEDDING_DIM + 1), dtype=jnp.float32) * 0.02
    return {
        "embeddings": embeddings,
        "targets": targets,
        "samples": samples,
        "target_expected_count": target_expected_count,
        "sampled_expected_count": sampled_expected_count,
        "table": table,
    }

def reference(embeddings, targets, samples, target_expected_count, sampled_expected_count, table):
    # _forward_train path of PSSampledSoftmaxLoss
    all_ids = jnp.concatenate([targets, samples], axis=0)
    all_e = jnp.take(table, all_ids, axis=0)  # sparse gather from PS table
    all_w = all_e[:, 1:]
    all_b = all_e[:, 0]
    batch_size = targets.shape[0]
    true_w = all_w[:batch_size, :]
    sampled_w = all_w[batch_size:, :]
    true_b = all_b[:batch_size]
    sampled_b = all_b[batch_size:]
    true_logits = jnp.sum(true_w * embeddings, axis=1) + true_b - jnp.log(target_expected_count + TINY)
    sampled_logits = jnp.matmul(embeddings, sampled_w.T) + sampled_b[None, :] - jnp.log(sampled_expected_count + TINY)[None, :]
    true_in_sample_mask = samples[None, :] == targets[:, None]
    masked_sampled_logits = jnp.where(true_in_sample_mask, -10000.0, sampled_logits)
    logits = jnp.concatenate([true_logits[:, None], masked_sampled_logits], axis=1)
    log_softmax = jax.nn.log_softmax(logits, axis=1)
    nll_loss = -1.0 * jnp.sum(log_softmax[:, 0])
    return nll_loss

if __name__ == "__main__":
    import jax
    _d = setup_inputs()
    print(jax.jit(kernel)(*tuple(_d.values())))

</pallas_src>

<mosaic_0001>
#map = affine_map<(d0, d1) -> (0)>
#map1 = affine_map<(d0, d1) -> (0, 0)>
module attributes {stable_mosaic.version = 14 : i64} {
  func.func @body(%arg0: i32, %arg1: i32, %arg2: memref<4096xi32, #tpu.memory_space<hbm>>, %arg3: memref<1024xi32, #tpu.memory_space<hbm>>, %arg4: memref<65x1000000xf32, #tpu.memory_space<hbm>>, %arg5: memref<5120x65xf32, #tpu.memory_space<hbm>>, %arg6: memref<176xi32, #tpu.memory_space<vmem>>, %arg7: memref<160x80xf32, #tpu.memory_space<vmem>>, %arg8: memref<!tpu.dma_semaphore, #tpu.memory_space<semaphore_mem>>, %arg9: memref<80x128xf32, #tpu.memory_space<vmem>>, %arg10: memref<80x128xf32, #tpu.memory_space<vmem>>, %arg11: memref<80x128xf32, #tpu.memory_space<vmem>>, %arg12: memref<80x128xf32, #tpu.memory_space<vmem>>, %arg13: memref<80x128xf32, #tpu.memory_space<vmem>>, %arg14: memref<80x128xf32, #tpu.memory_space<vmem>>, %arg15: memref<80x128xf32, #tpu.memory_space<vmem>>, %arg16: memref<80x128xf32, #tpu.memory_space<vmem>>, %arg17: memref<!tpu.dma_semaphore, #tpu.memory_space<semaphore_mem>>, %arg18: memref<!tpu.dma_semaphore, #tpu.memory_space<semaphore_mem>>, %arg19: memref<!tpu.dma_semaphore, #tpu.memory_space<semaphore_mem>>, %arg20: memref<!tpu.dma_semaphore, #tpu.memory_space<semaphore_mem>>, %arg21: memref<!tpu.dma_semaphore, #tpu.memory_space<semaphore_mem>>, %arg22: memref<!tpu.dma_semaphore, #tpu.memory_space<semaphore_mem>>, %arg23: memref<!tpu.dma_semaphore, #tpu.memory_space<semaphore_mem>>, %arg24: memref<!tpu.dma_semaphore, #tpu.memory_space<semaphore_mem>>) attributes {dimension_semantics = [#tpu.dimension_semantics<core_parallel>, #tpu.dimension_semantics<subcore_parallel>], iteration_bounds = array<i64: 2, 16>, scalar_prefetch = 0 : i64, scratch_operands = 19 : i64, tpu.core_type = #tpu.core_type<sc_vector_subcore>, window_params = [{transform_indices = #map}, {transform_indices = #map}, {transform_indices = #map1}, {transform_indices = #map1}]} {
    %mul3A = arith.constant 2 : i32
    %mul3A_0 = arith.muli %arg1, %mul3A : i32
    %add3A = arith.addi %mul3A_0, %arg0 : i32
    %mul3A_1 = arith.constant 160 : i32
    %mul3A_2 = arith.muli %add3A, %mul3A_1 : i32
    %lt3A = arith.constant 25 : i32
    %lt3A_3 = arith.cmpi slt, %add3A, %lt3A : i32
    %convert_element_type3A = arith.extui %lt3A_3 : i1 to i32
    %cond3A = arith.constant 0 : i32
    %cond3A_4 = arith.cmpi ne, %convert_element_type3A, %cond3A : i32
    scf.if %cond3A_4 {
      %add3A_138 = arith.constant 0 : i32
      %add3A_139 = arith.addi %add3A_138, %mul3A_2 : i32
      "tpu.region"() ({
        %run_scoped3A = tpu.sem_alloc : memref<!tpu.dma_semaphore, #tpu.memory_space<semaphore_mem>>
        %dma_start3A_140 = arith.constant 0 : i32
        %dma_start3A_141 = tpu.memref_slice %arg6[%dma_start3A_140] : memref<176xi32, #tpu.memory_space<vmem>> -> memref<160xi32, #tpu.memory_space<vmem>>
        %dma_start3A_142 = tpu.memref_slice %arg2[%add3A_139] : memref<4096xi32, #tpu.memory_space<hbm>> -> memref<160xi32, #tpu.memory_space<hbm>>
        %dma_start3A_143 = arith.constant 0 : i32
        %dma_start3A_144 = tpu.memref_slice %arg6[%dma_start3A_143] : memref<176xi32, #tpu.memory_space<vmem>> -> memref<160xi32, #tpu.memory_space<vmem>>
        %dma_start3A_145 = tpu.memref_slice %arg2[%add3A_139] : memref<4096xi32, #tpu.memory_space<hbm>> -> memref<160xi32, #tpu.memory_space<hbm>>
        tpu.enqueue_dma source(%dma_start3A_145 : memref<160xi32, #tpu.memory_space<hbm>>) target(%dma_start3A_144 : memref<160xi32, #tpu.memory_space<vmem>>) target_semaphore(%run_scoped3A : memref<!tpu.dma_semaphore, #tpu.memory_space<semaphore_mem>>)
        %dma_wait3A = arith.constant 0 : i32
        %dma_wait3A_146 = tpu.memref_slice %arg6[%dma_wait3A] : memref<176xi32, #tpu.memory_space<vmem>> -> memref<160xi32, #tpu.memory_space<vmem>>
        %dma_wait3A_147 = tpu.memref_slice %arg2[%add3A_139] : memref<4096xi32, #tpu.memory_space<hbm>> -> memref<160xi32, #tpu.memory_space<hbm>>
        %dma_wait3A_148 = arith.constant 0 : i32
        %dma_wait3A_149 = tpu.memref_slice %arg6[%dma_wait3A_148] : memref<176xi32, #tpu.memory_space<vmem>> -> memref<160xi32, #tpu.memory_space<vmem>>
        %dma_wait3A_150 = tpu.memref_slice %arg2[%add3A_139] : memref<4096xi32, #tpu.memory_space<hbm>> -> memref<160xi32, #tpu.memory_space<hbm>>
        tpu.wait_dma2 semaphore(%run_scoped3A : memref<!tpu.dma_semaphore, #tpu.memory_space<semaphore_mem>>) src(%dma_wait3A_150 : memref<160xi32, #tpu.memory_space<hbm>>) dst(%dma_wait3A_149 : memref<160xi32, #tpu.memory_space<vmem>>)
        tpu.yield
      }) : () -> ()
    } else {
    }
    %eq3A = arith.constant 25 : i32
    %eq3A_5 = arith.cmpi eq, %add3A, %eq3A : i32
    %convert_element_type3A_6 = arith.extui %eq3A_5 : i1 to i32
    %cond3A_7 = arith.constant 0 : i32
    %cond3A_8 = arith.cmpi ne, %convert_element_type3A_6, %cond3A_7 : i32
    scf.if %cond3A_8 {
      %add3A_138 = arith.constant 0 : i32
      %add3A_139 = arith.addi %add3A_138, %mul3A_2 : i32
      "tpu.region"() ({
        %run_scoped3A = tpu.sem_alloc : memref<!tpu.dma_semaphore, #tpu.memory_space<semaphore_mem>>
        %dma_start3A_140 = arith.constant 0 : i32
        %dma_start3A_141 = tpu.memref_slice %arg6[%dma_start3A_140] : memref<176xi32, #tpu.memory_space<vmem>> -> memref<96xi32, #tpu.memory_space<vmem>>
        %dma_start3A_142 = tpu.memref_slice %arg2[%add3A_139] : memref<4096xi32, #tpu.memory_space<hbm>> -> memref<96xi32, #tpu.memory_space<hbm>>
        %dma_start3A_143 = arith.constant 0 : i32
        %dma_start3A_144 = tpu.memref_slice %arg6[%dma_start3A_143] : memref<176xi32, #tpu.memory_space<vmem>> -> memref<96xi32, #tpu.memory_space<vmem>>
        %dma_start3A_145 = tpu.memref_slice %arg2[%add3A_139] : memref<4096xi32, #tpu.memory_space<hbm>> -> memref<96xi32, #tpu.memory_space<hbm>>
        tpu.enqueue_dma source(%dma_start3A_145 : memref<96xi32, #tpu.memory_space<hbm>>) target(%dma_start3A_144 : memref<96xi32, #tpu.memory_space<vmem>>) target_semaphore(%run_scoped3A : memref<!tpu.dma_semaphore, #tpu.memory_space<semaphore_mem>>)
        %dma_wait3A = arith.constant 0 : i32
        %dma_wait3A_146 = tpu.memref_slice %arg6[%dma_wait3A] : memref<176xi32, #tpu.memory_space<vmem>> -> memref<96xi32, #tpu.memory_space<vmem>>
        %dma_wait3A_147 = tpu.memref_slice %arg2[%add3A_139] : memref<4096xi32, #tpu.memory_space<hbm>> -> memref<96xi32, #tpu.memory_space<hbm>>
        %dma_wait3A_148 = arith.constant 0 : i32
        %dma_wait3A_149 = tpu.memref_slice %arg6[%dma_wait3A_148] : memref<176xi32, #tpu.memory_space<vmem>> -> memref<96xi32, #tpu.memory_space<vmem>>
        %dma_wait3A_150 = tpu.memref_slice %arg2[%add3A_139] : memref<4096xi32, #tpu.memory_space<hbm>> -> memref<96xi32, #tpu.memory_space<hbm>>
        tpu.wait_dma2 semaphore(%run_scoped3A : memref<!tpu.dma_semaphore, #tpu.memory_space<semaphore_mem>>) src(%dma_wait3A_150 : memref<96xi32, #tpu.memory_space<hbm>>) dst(%dma_wait3A_149 : memref<96xi32, #tpu.memory_space<vmem>>)
        tpu.yield
      }) : () -> ()
      "tpu.region"() ({
        %run_scoped3A = tpu.sem_alloc : memref<!tpu.dma_semaphore, #tpu.memory_space<semaphore_mem>>
        %dma_start3A_140 = arith.constant 96 : i32
        %dma_start3A_141 = tpu.memref_slice %arg6[%dma_start3A_140] : memref<176xi32, #tpu.memory_space<vmem>> -> memref<64xi32, #tpu.memory_space<vmem>>
        %dma_start3A_142 = arith.constant 0 : i32
        %dma_start3A_143 = tpu.memref_slice %arg3[%dma_start3A_142] : memref<1024xi32, #tpu.memory_space<hbm>> -> memref<64xi32, #tpu.memory_space<hbm>>
        %dma_start3A_144 = arith.constant 96 : i32
        %dma_start3A_145 = tpu.memref_slice %arg6[%dma_start3A_144] : memref<176xi32, #tpu.memory_space<vmem>> -> memref<64xi32, #tpu.memory_space<vmem>>
        %dma_start3A_146 = arith.constant 0 : i32
        %dma_start3A_147 = tpu.memref_slice %arg3[%dma_start3A_146] : memref<1024xi32, #tpu.memory_space<hbm>> -> memref<64xi32, #tpu.memory_space<hbm>>
        tpu.enqueue_dma source(%dma_start3A_147 : memref<64xi32, #tpu.memory_space<hbm>>) target(%dma_start3A_145 : memref<64xi32, #tpu.memory_space<vmem>>) target_semaphore(%run_scoped3A : memref<!tpu.dma_semaphore, #tpu.memory_space<semaphore_mem>>)
        %dma_wait3A = arith.constant 96 : i32
        %dma_wait3A_148 = tpu.memref_slice %arg6[%dma_wait3A] : memref<176xi32, #tpu.memory_space<vmem>> -> memref<64xi32, #tpu.memory_space<vmem>>
        %dma_wait3A_149 = arith.constant 0 : i32
        %dma_wait3A_150 = tpu.memref_slice %arg3[%dma_wait3A_149] : memref<1024xi32, #tpu.memory_space<hbm>> -> memref<64xi32, #tpu.memory_space<hbm>>
        %dma_wait3A_151 = arith.constant 96 : i32
        %dma_wait3A_152 = tpu.memref_slice %arg6[%dma_wait3A_151] : memref<176xi32, #tpu.memory_space<vmem>> -> memref<64xi32, #tpu.memory_space<vmem>>
        %dma_wait3A_153 = arith.constant 0 : i32
        %dma_wait3A_154 = tpu.memref_slice %arg3[%dma_wait3A_153] : memref<1024xi32, #tpu.memory_space<hbm>> -> memref<64xi32, #tpu.memory_space<hbm>>
        tpu.wait_dma2 semaphore(%run_scoped3A : memref<!tpu.dma_semaphore, #tpu.memory_space<semaphore_mem>>) src(%dma_wait3A_154 : memref<64xi32, #tpu.memory_space<hbm>>) dst(%dma_wait3A_152 : memref<64xi32, #tpu.memory_space<vmem>>)
        tpu.yield
      }) : () -> ()
    } else {
    }
    %gt3A = arith.constant 25 : i32
    %gt3A_9 = arith.cmpi sgt, %add3A, %gt3A : i32
    %convert_element_type3A_10 = arith.extui %gt3A_9 : i1 to i32
    %cond3A_11 = arith.constant 0 : i32
    %cond3A_12 = arith.cmpi ne, %convert_element_type3A_10, %cond3A_11 : i32
    scf.if %cond3A_12 {
      %sub3A = arith.constant 4096 : i32
      %sub3A_138 = arith.subi %mul3A_2, %sub3A : i32
      "tpu.region"() ({
        %run_scoped3A = tpu.sem_alloc : memref<!tpu.dma_semaphore, #tpu.memory_space<semaphore_mem>>
        %dma_start3A_139 = arith.constant 0 : i32
        %dma_start3A_140 = tpu.memref_slice %arg6[%dma_start3A_139] : memref<176xi32, #tpu.memory_space<vmem>> -> memref<160xi32, #tpu.memory_space<vmem>>
        %dma_start3A_141 = tpu.memref_slice %arg3[%sub3A_138] : memref<1024xi32, #tpu.memory_space<hbm>> -> memref<160xi32, #tpu.memory_space<hbm>>
        %dma_start3A_142 = arith.constant 0 : i32
        %dma_start3A_143 = tpu.memref_slice %arg6[%dma_start3A_142] : memref<176xi32, #tpu.memory_space<vmem>> -> memref<160xi32, #tpu.memory_space<vmem>>
        %dma_start3A_144 = tpu.memref_slice %arg3[%sub3A_138] : memref<1024xi32, #tpu.memory_space<hbm>> -> memref<160xi32, #tpu.memory_space<hbm>>
        tpu.enqueue_dma source(%dma_start3A_144 : memref<160xi32, #tpu.memory_space<hbm>>) target(%dma_start3A_143 : memref<160xi32, #tpu.memory_space<vmem>>) target_semaphore(%run_scoped3A : memref<!tpu.dma_semaphore, #tpu.memory_space<semaphore_mem>>)
        %dma_wait3A = arith.constant 0 : i32
        %dma_wait3A_145 = tpu.memref_slice %arg6[%dma_wait3A] : memref<176xi32, #tpu.memory_space<vmem>> -> memref<160xi32, #tpu.memory_space<vmem>>
        %dma_wait3A_146 = tpu.memref_slice %arg3[%sub3A_138] : memref<1024xi32, #tpu.memory_space<hbm>> -> memref<160xi32, #tpu.memory_space<hbm>>
        %dma_wait3A_147 = arith.constant 0 : i32
        %dma_wait3A_148 = tpu.memref_slice %arg6[%dma_wait3A_147] : memref<176xi32, #tpu.memory_space<vmem>> -> memref<160xi32, #tpu.memory_space<vmem>>
        %dma_wait3A_149 = tpu.memref_slice %arg3[%sub3A_138] : memref<1024xi32, #tpu.memory_space<hbm>> -> memref<160xi32, #tpu.memory_space<hbm>>
        tpu.wait_dma2 semaphore(%run_scoped3A : memref<!tpu.dma_semaphore, #tpu.memory_space<semaphore_mem>>) src(%dma_wait3A_149 : memref<160xi32, #tpu.memory_space<hbm>>) dst(%dma_wait3A_148 : memref<160xi32, #tpu.memory_space<vmem>>)
        tpu.yield
      }) : () -> ()
    } else {
    }
    %get3A = arith.constant 0 : index
    %get3A_13 = tpu.vector_load %arg6[%get3A] {strides = array<i32>} : memref<176xi32, #tpu.memory_space<vmem>>, vector<16xi32>,
    %slice3A = vector.extract_strided_slice %get3A_13 {offsets = [0], sizes = [1], strides = [1]} : vector<16xi32> to vector<1xi32>
    %squeeze3A = vector.extract %slice3A[0] : i32 from vector<1xi32>
    %and3A = arith.constant -128 : i32
    %and3A_14 = arith.andi %squeeze3A, %and3A : i32
    %multiple_of3A = tpu.assume_multiple %and3A_14, 128 : i32
    %dma_start3A = arith.constant 0 : i32
    %dma_start3A_15 = arith.constant 0 : i32
    %dma_start3A_16 = tpu.memref_slice %arg9[%dma_start3A, %dma_start3A_15] : memref<80x128xf32, #tpu.memory_space<vmem>> -> memref<65x128xf32, #tpu.memory_space<vmem>>
    %dma_start3A_17 = arith.constant 0 : i32
    %dma_start3A_18 = tpu.memref_slice %arg4[%dma_start3A_17, %multiple_of3A] : memref<65x1000000xf32, #tpu.memory_space<hbm>> -> memref<65x128xf32, #tpu.memory_space<hbm>>
    %dma_start3A_19 = arith.constant 0 : i32
    %dma_start3A_20 = arith.constant 0 : i32
    %dma_start3A_21 = tpu.memref_slice %arg9[%dma_start3A_19, %dma_start3A_20] : memref<80x128xf32, #tpu.memory_space<vmem>> -> memref<65x128xf32, #tpu.memory_space<vmem>>
    %dma_start3A_22 = arith.constant 0 : i32
    %dma_start3A_23 = tpu.memref_slice %arg4[%dma_start3A_22, %multiple_of3A] : memref<65x1000000xf32, #tpu.memory_space<hbm>> -> memref<65x128xf32, #tpu.memory_space<hbm>>
    tpu.enqueue_dma source(%dma_start3A_23 : memref<65x128xf32, #tpu.memory_space<hbm>>) target(%dma_start3A_21 : memref<65x128xf32, #tpu.memory_space<vmem>>) target_semaphore(%arg17 : memref<!tpu.dma_semaphore, #tpu.memory_space<semaphore_mem>>)
    %slice3A_24 = vector.extract_strided_slice %get3A_13 {offsets = [1], sizes = [1], strides = [1]} : vector<16xi32> to vector<1xi32>
    %squeeze3A_25 = vector.extract %slice3A_24[0] : i32 from vector<1xi32>
    %and3A_26 = arith.constant -128 : i32
    %and3A_27 = arith.andi %squeeze3A_25, %and3A_26 : i32
    %multiple_of3A_28 = tpu.assume_multiple %and3A_27, 128 : i32
    %dma_start3A_29 = arith.constant 0 : i32
    %dma_start3A_30 = arith.constant 0 : i32
    %dma_start3A_31 = tpu.memref_slice %arg10[%dma_start3A_29, %dma_start3A_30] : memref<80x128xf32, #tpu.memory_space<vmem>> -> memref<65x128xf32, #tpu.memory_space<vmem>>
    %dma_start3A_32 = arith.constant 0 : i32
    %dma_start3A_33 = tpu.memref_slice %arg4[%dma_start3A_32, %multiple_of3A_28] : memref<65x1000000xf32, #tpu.memory_space<hbm>> -> memref<65x128xf32, #tpu.memory_space<hbm>>
    %dma_start3A_34 = arith.constant 0 : i32
    %dma_start3A_35 = arith.constant 0 : i32
    %dma_start3A_36 = tpu.memref_slice %arg10[%dma_start3A_34, %dma_start3A_35] : memref<80x128xf32, #tpu.memory_space<vmem>> -> memref<65x128xf32, #tpu.memory_space<vmem>>
    %dma_start3A_37 = arith.constant 0 : i32
    %dma_start3A_38 = tpu.memref_slice %arg4[%dma_start3A_37, %multiple_of3A_28] : memref<65x1000000xf32, #tpu.memory_space<hbm>> -> memref<65x128xf32, #tpu.memory_space<hbm>>
    tpu.enqueue_dma source(%dma_start3A_38 : memref<65x128xf32, #tpu.memory_space<hbm>>) target(%dma_start3A_36 : memref<65x128xf32, #tpu.memory_space<vmem>>) target_semaphore(%arg18 : memref<!tpu.dma_semaphore, #tpu.memory_space<semaphore_mem>>)
    %slice3A_39 = vector.extract_strided_slice %get3A_13 {offsets = [2], sizes = [1], strides = [1]} : vector<16xi32> to vector<1xi32>
    %squeeze3A_40 = vector.extract %slice3A_39[0] : i32 from vector<1xi32>
    %and3A_41 = arith.constant -128 : i32
    %and3A_42 = arith.andi %squeeze3A_40, %and3A_41 : i32
    %multiple_of3A_43 = tpu.assume_multiple %and3A_42, 128 : i32
    %dma_start3A_44 = arith.constant 0 : i32
    %dma_start3A_45 = arith.constant 0 : i32
    %dma_start3A_46 = tpu.memref_slice %arg11[%dma_start3A_44, %dma_start3A_45] : memref<80x128xf32, #tpu.memory_space<vmem>> -> memref<65x128xf32, #tpu.memory_space<vmem>>
    %dma_start3A_47 = arith.constant 0 : i32
    %dma_start3A_48 = tpu.memref_slice %arg4[%dma_start3A_47, %multiple_of3A_43] : memref<65x1000000xf32, #tpu.memory_space<hbm>> -> memref<65x128xf32, #tpu.memory_space<hbm>>
    %dma_start3A_49 = arith.constant 0 : i32
    %dma_start3A_50 = arith.constant 0 : i32
    %dma_start3A_51 = tpu.memref_slice %arg11[%dma_start3A_49, %dma_start3A_50] : memref<80x128xf32, #tpu.memory_space<vmem>> -> memref<65x128xf32, #tpu.memory_space<vmem>>
    %dma_start3A_52 = arith.constant 0 : i32
    %dma_start3A_53 = tpu.memref_slice %arg4[%dma_start3A_52, %multiple_of3A_43] : memref<65x1000000xf32, #tpu.memory_space<hbm>> -> memref<65x128xf32, #tpu.memory_space<hbm>>
    tpu.enqueue_dma source(%dma_start3A_53 : memref<65x128xf32, #tpu.memory_space<hbm>>) target(%dma_start3A_51 : memref<65x128xf32, #tpu.memory_space<vmem>>) target_semaphore(%arg19 : memref<!tpu.dma_semaphore, #tpu.memory_space<semaphore_mem>>)
    %slice3A_54 = vector.extract_strided_slice %get3A_13 {offsets = [3], sizes = [1], strides = [1]} : vector<16xi32> to vector<1xi32>
    %squeeze3A_55 = vector.extract %slice3A_54[0] : i32 from vector<1xi32>
    %and3A_56 = arith.constant -128 : i32
    %and3A_57 = arith.andi %squeeze3A_55, %and3A_56 : i32
    %multiple_of3A_58 = tpu.assume_multiple %and3A_57, 128 : i32
    %dma_start3A_59 = arith.constant 0 : i32
    %dma_start3A_60 = arith.constant 0 : i32
    %dma_start3A_61 = tpu.memref_slice %arg12[%dma_start3A_59, %dma_start3A_60] : memref<80x128xf32, #tpu.memory_space<vmem>> -> memref<65x128xf32, #tpu.memory_space<vmem>>
    %dma_start3A_62 = arith.constant 0 : i32
    %dma_start3A_63 = tpu.memref_slice %arg4[%dma_start3A_62, %multiple_of3A_58] : memref<65x1000000xf32, #tpu.memory_space<hbm>> -> memref<65x128xf32, #tpu.memory_space<hbm>>
    %dma_start3A_64 = arith.constant 0 : i32
    %dma_start3A_65 = arith.constant 0 : i32
    %dma_start3A_66 = tpu.memref_slice %arg12[%dma_start3A_64, %dma_start3A_65] : memref<80x128xf32, #tpu.memory_space<vmem>> -> memref<65x128xf32, #tpu.memory_space<vmem>>
    %dma_start3A_67 = arith.constant 0 : i32
    %dma_start3A_68 = tpu.memref_slice %arg4[%dma_start3A_67, %multiple_of3A_58] : memref<65x1000000xf32, #tpu.memory_space<hbm>> -> memref<65x128xf32, #tpu.memory_space<hbm>>
    tpu.enqueue_dma source(%dma_start3A_68 : memref<65x128xf32, #tpu.memory_space<hbm>>) target(%dma_start3A_66 : memref<65x128xf32, #tpu.memory_space<vmem>>) target_semaphore(%arg20 : memref<!tpu.dma_semaphore, #tpu.memory_space<semaphore_mem>>)
    %slice3A_69 = vector.extract_strided_slice %get3A_13 {offsets = [4], sizes = [1], strides = [1]} : vector<16xi32> to vector<1xi32>
    %squeeze3A_70 = vector.extract %slice3A_69[0] : i32 from vector<1xi32>
    %and3A_71 = arith.constant -128 : i32
    %and3A_72 = arith.andi %squeeze3A_70, %and3A_71 : i32
    %multiple_of3A_73 = tpu.assume_multiple %and3A_72, 128 : i32
    %dma_start3A_74 = arith.constant 0 : i32
    %dma_start3A_75 = arith.constant 0 : i32
    %dma_start3A_76 = tpu.memref_slice %arg13[%dma_start3A_74, %dma_start3A_75] : memref<80x128xf32, #tpu.memory_space<vmem>> -> memref<65x128xf32, #tpu.memory_space<vmem>>
    %dma_start3A_77 = arith.constant 0 : i32
    %dma_start3A_78 = tpu.memref_slice %arg4[%dma_start3A_77, %multiple_of3A_73] : memref<65x1000000xf32, #tpu.memory_space<hbm>> -> memref<65x128xf32, #tpu.memory_space<hbm>>
    %dma_start3A_79 = arith.constant 0 : i32
    %dma_start3A_80 = arith.constant 0 : i32
    %dma_start3A_81 = tpu.memref_slice %arg13[%dma_start3A_79, %dma_start3A_80] : memref<80x128xf32, #tpu.memory_space<vmem>> -> memref<65x128xf32, #tpu.memory_space<vmem>>
    %dma_start3A_82 = arith.constant 0 : i32
    %dma_start3A_83 = tpu.memref_slice %arg4[%dma_start3A_82, %multiple_of3A_73] : memref<65x1000000xf32, #tpu.memory_space<hbm>> -> memref<65x128xf32, #tpu.memory_space<hbm>>
    tpu.enqueue_dma source(%dma_start3A_83 : memref<65x128xf32, #tpu.memory_space<hbm>>) target(%dma_start3A_81 : memref<65x128xf32, #tpu.memory_space<vmem>>) target_semaphore(%arg21 : memref<!tpu.dma_semaphore, #tpu.memory_space<semaphore_mem>>)
    %slice3A_84 = vector.extract_strided_slice %get3A_13 {offsets = [5], sizes = [1], strides = [1]} : vector<16xi32> to vector<1xi32>
    %squeeze3A_85 = vector.extract %slice3A_84[0] : i32 from vector<1xi32>
    %and3A_86 = arith.constant -128 : i32
    %and3A_87 = arith.andi %squeeze3A_85, %and3A_86 : i32
    %multiple_of3A_88 = tpu.assume_multiple %and3A_87, 128 : i32
    %dma_start3A_89 = arith.constant 0 : i32
    %dma_start3A_90 = arith.constant 0 : i32
    %dma_start3A_91 = tpu.memref_slice %arg14[%dma_start3A_89, %dma_start3A_90] : memref<80x128xf32, #tpu.memory_space<vmem>> -> memref<65x128xf32, #tpu.memory_space<vmem>>
    %dma_start3A_92 = arith.constant 0 : i32
    %dma_start3A_93 = tpu.memref_slice %arg4[%dma_start3A_92, %multiple_of3A_88] : memref<65x1000000xf32, #tpu.memory_space<hbm>> -> memref<65x128xf32, #tpu.memory_space<hbm>>
    %dma_start3A_94 = arith.constant 0 : i32
    %dma_start3A_95 = arith.constant 0 : i32
    %dma_start3A_96 = tpu.memref_slice %arg14[%dma_start3A_94, %dma_start3A_95] : memref<80x128xf32, #tpu.memory_space<vmem>> -> memref<65x128xf32, #tpu.memory_space<vmem>>
    %dma_start3A_97 = arith.constant 0 : i32
    %dma_start3A_98 = tpu.memref_slice %arg4[%dma_start3A_97, %multiple_of3A_88] : memref<65x1000000xf32, #tpu.memory_space<hbm>> -> memref<65x128xf32, #tpu.memory_space<hbm>>
    tpu.enqueue_dma source(%dma_start3A_98 : memref<65x128xf32, #tpu.memory_space<hbm>>) target(%dma_start3A_96 : memref<65x128xf32, #tpu.memory_space<vmem>>) target_semaphore(%arg22 : memref<!tpu.dma_semaphore, #tpu.memory_space<semaphore_mem>>)
    %slice3A_99 = vector.extract_strided_slice %get3A_13 {offsets = [6], sizes = [1], strides = [1]} : vector<16xi32> to vector<1xi32>
    %squeeze3A_100 = vector.extract %slice3A_99[0] : i32 from vector<1xi32>
    %and3A_101 = arith.constant -128 : i32
    %and3A_102 = arith.andi %squeeze3A_100, %and3A_101 : i32
    %multiple_of3A_103 = tpu.assume_multiple %and3A_102, 128 : i32
    %dma_start3A_104 = arith.constant 0 : i32
    %dma_start3A_105 = arith.constant 0 : i32
    %dma_start3A_106 = tpu.memref_slice %arg15[%dma_start3A_104, %dma_start3A_105] : memref<80x128xf32, #tpu.memory_space<vmem>> -> memref<65x128xf32, #tpu.memory_space<vmem>>
    %dma_start3A_107 = arith.constant 0 : i32
    %dma_start3A_108 = tpu.memref_slice %arg4[%dma_start3A_107, %multiple_of3A_103] : memref<65x1000000xf32, #tpu.memory_space<hbm>> -> memref<65x128xf32, #tpu.memory_space<hbm>>
    %dma_start3A_109 = arith.constant 0 : i32
    %dma_start3A_110 = arith.constant 0 : i32
    %dma_start3A_111 = tpu.memref_slice %arg15[%dma_start3A_109, %dma_start3A_110] : memref<80x128xf32, #tpu.memory_space<vmem>> -> memref<65x128xf32, #tpu.memory_space<vmem>>
    %dma_start3A_112 = arith.constant 0 : i32
    %dma_start3A_113 = tpu.memref_slice %arg4[%dma_start3A_112, %multiple_of3A_103] : memref<65x1000000xf32, #tpu.memory_space<hbm>> -> memref<65x128xf32, #tpu.memory_space<hbm>>
    tpu.enqueue_dma source(%dma_start3A_113 : memref<65x128xf32, #tpu.memory_space<hbm>>) target(%dma_start3A_111 : memref<65x128xf32, #tpu.memory_space<vmem>>) target_semaphore(%arg23 : memref<!tpu.dma_semaphore, #tpu.memory_space<semaphore_mem>>)
    %slice3A_114 = vector.extract_strided_slice %get3A_13 {offsets = [7], sizes = [1], strides = [1]} : vector<16xi32> to vector<1xi32>
    %squeeze3A_115 = vector.extract %slice3A_114[0] : i32 from vector<1xi32>
    %and3A_116 = arith.constant -128 : i32
    %and3A_117 = arith.andi %squeeze3A_115, %and3A_116 : i32
    %multiple_of3A_118 = tpu.assume_multiple %and3A_117, 128 : i32
    %dma_start3A_119 = arith.constant 0 : i32
    %dma_start3A_120 = arith.constant 0 : i32
    %dma_start3A_121 = tpu.memref_slice %arg16[%dma_start3A_119, %dma_start3A_120] : memref<80x128xf32, #tpu.memory_space<vmem>> -> memref<65x128xf32, #tpu.memory_space<vmem>>
    %dma_start3A_122 = arith.constant 0 : i32
    %dma_start3A_123 = tpu.memref_slice %arg4[%dma_start3A_122, %multiple_of3A_118] : memref<65x1000000xf32, #tpu.memory_space<hbm>> -> memref<65x128xf32, #tpu.memory_space<hbm>>
    %dma_start3A_124 = arith.constant 0 : i32
    %dma_start3A_125 = arith.constant 0 : i32
    %dma_start3A_126 = tpu.memref_slice %arg16[%dma_start3A_124, %dma_start3A_125] : memref<80x128xf32, #tpu.memory_space<vmem>> -> memref<65x128xf32, #tpu.memory_space<vmem>>
    %dma_start3A_127 = arith.constant 0 : i32
    %dma_start3A_128 = tpu.memref_slice %arg4[%dma_start3A_127, %multiple_of3A_118] : memref<65x1000000xf32, #tpu.memory_space<hbm>> -> memref<65x128xf32, #tpu.memory_space<hbm>>
    tpu.enqueue_dma source(%dma_start3A_128 : memref<65x128xf32, #tpu.memory_space<hbm>>) target(%dma_start3A_126 : memref<65x128xf32, #tpu.memory_space<vmem>>) target_semaphore(%arg24 : memref<!tpu.dma_semaphore, #tpu.memory_space<semaphore_mem>>)
    %scan3A = arith.constant 0 : i32
    %scan3A_129 = arith.constant 20 : i32
    %scan3A_130 = arith.addi %scan3A, %scan3A_129 : i32
    %scan3A_131 = arith.constant 1 : i32
    scf.for %scan3A_138 = %scan3A to %scan3A_130 step %scan3A_131  : i32 {
      %mul3A_139 = arith.constant 1 : i32
      %mul3A_140 = arith.muli %scan3A_138, %mul3A_139 : i32
      %add3A_141 = arith.constant 0 : i32
      %add3A_142 = arith.addi %add3A_141, %mul3A_140 : i32
      %mul3A_143 = arith.constant 8 : i32
      %mul3A_144 = arith.muli %add3A_142, %mul3A_143 : i32
      %get3A_145 = arith.index_cast %mul3A_144 : i32 to index
      %get3A_146 = tpu.vector_load %arg6[%get3A_145] {strides = array<i32>} : memref<176xi32, #tpu.memory_space<vmem>>, vector<16xi32>,
      %add3A_147 = arith.constant 1 : i32
      %add3A_148 = arith.addi %add3A_142, %add3A_147 : i32
      %mul3A_149 = arith.constant 8 : i32
      %mul3A_150 = arith.muli %add3A_148, %mul3A_149 : i32
      %get3A_151 = arith.index_cast %mul3A_150 : i32 to index
      %get3A_152 = tpu.vector_load %arg6[%get3A_151] {strides = array<i32>} : memref<176xi32, #tpu.memory_space<vmem>>, vector<16xi32>,
      %dma_wait3A = arith.constant 0 : i32
      %dma_wait3A_153 = arith.constant 0 : i32
      %dma_wait3A_154 = tpu.memref_slice %arg9[%dma_wait3A, %dma_wait3A_153] : memref<80x128xf32, #tpu.memory_space<vmem>> -> memref<65x128xf32, #tpu.memory_space<vmem>>
      %dma_wait3A_155 = arith.constant 0 : i32
      %dma_wait3A_156 = arith.constant 0 : i32
      %dma_wait3A_157 = tpu.memref_slice %arg4[%dma_wait3A_155, %dma_wait3A_156] : memref<65x1000000xf32, #tpu.memory_space<hbm>> -> memref<65x128xf32, #tpu.memory_space<hbm>>
      %dma_wait3A_158 = arith.constant 0 : i32
      %dma_wait3A_159 = arith.constant 0 : i32
      %dma_wait3A_160 = tpu.memref_slice %arg9[%dma_wait3A_158, %dma_wait3A_159] : memref<80x128xf32, #tpu.memory_space<vmem>> -> memref<65x128xf32, #tpu.memory_space<vmem>>
      %dma_wait3A_161 = arith.constant 0 : i32
      %dma_wait3A_162 = arith.constant 0 : i32
      %dma_wait3A_163 = tpu.memref_slice %arg4[%dma_wait3A_161, %dma_wait3A_162] : memref<65x1000000xf32, #tpu.memory_space<hbm>> -> memref<65x128xf32, #tpu.memory_space<hbm>>
      tpu.wait_dma2 semaphore(%arg17 : memref<!tpu.dma_semaphore, #tpu.memory_space<semaphore_mem>>) src(%dma_wait3A_163 : memref<65x128xf32, #tpu.memory_space<hbm>>) dst(%dma_wait3A_160 : memref<65x128xf32, #tpu.memory_space<vmem>>)
      %slice3A_164 = vector.extract_strided_slice %get3A_146 {offsets = [0], sizes = [1], strides = [1]} : vector<16xi32> to vector<1xi32>
      %squeeze3A_165 = vector.extract %slice3A_164[0] : i32 from vector<1xi32>
      %and3A_166 = arith.constant 127 : i32
      %and3A_167 = arith.andi %squeeze3A_165, %and3A_166 : i32
      %broadcast_in_dim3A = vector.broadcast %and3A_167 : i32 to vector<16xi32>
      %iota3A = tpu.iota {dimensions = array<i32: 0>} : vector<16xi32>
      %add3A_168 = arith.constant 0 : i32
      %add3A_169 = vector.broadcast %add3A_168 : i32 to vector<16xi32>
      %add3A_170 = arith.addi %add3A_169, %iota3A : vector<16xi32>
      %gather3A = tpu.vector_load_idx %arg9[%add3A_170, %broadcast_in_dim3A] : memref<80x128xf32, #tpu.memory_space<vmem>>[vector<16xi32>, vector<16xi32>], vector<16xf32>,
      %mul3A_171 = arith.constant 8 : i32
      %mul3A_172 = arith.muli %add3A_142, %mul3A_171 : i32
      %add3A_173 = arith.constant 0 : i32
      %add3A_174 = arith.addi %mul3A_172, %add3A_173 : i32
      %swap3A = arith.index_cast %add3A_174 : i32 to index
      %swap3A_175 = arith.constant 0 : index
      %swap3A_176 = tpu.vector_load %arg7[%swap3A, %swap3A_175] {strides = array<i32>} : memref<160x80xf32, #tpu.memory_space<vmem>>, vector<16xf32>,
      tpu.vector_store %arg7[%swap3A, %swap3A_175], %gather3A {strides = array<i32>} : memref<160x80xf32, #tpu.memory_space<vmem>>, vector<16xf32>,
      %iota3A_177 = tpu.iota {dimensions = array<i32: 0>} : vector<16xi32>
      %add3A_178 = arith.constant 16 : i32
      %add3A_179 = vector.broadcast %add3A_178 : i32 to vector<16xi32>
      %add3A_180 = arith.addi %add3A_179, %iota3A_177 : vector<16xi32>
      %gather3A_181 = tpu.vector_load_idx %arg9[%add3A_180, %broadcast_in_dim3A] : memref<80x128xf32, #tpu.memory_space<vmem>>[vector<16xi32>, vector<16xi32>], vector<16xf32>,
      %mul3A_182 = arith.constant 8 : i32
      %mul3A_183 = arith.muli %add3A_142, %mul3A_182 : i32
      %add3A_184 = arith.constant 0 : i32
      %add3A_185 = arith.addi %mul3A_183, %add3A_184 : i32
      %swap3A_186 = arith.index_cast %add3A_185 : i32 to index
      %swap3A_187 = arith.constant 16 : index
      %swap3A_188 = tpu.vector_load %arg7[%swap3A_186, %swap3A_187] {strides = array<i32>} : memref<160x80xf32, #tpu.memory_space<vmem>>, vector<16xf32>,
      tpu.vector_store %arg7[%swap3A_186, %swap3A_187], %gather3A_181 {strides = array<i32>} : memref<160x80xf32, #tpu.memory_space<vmem>>, vector<16xf32>,
      %iota3A_189 = tpu.iota {dimensions = array<i32: 0>} : vector<16xi32>
      %add3A_190 = arith.constant 32 : i32
      %add3A_191 = vector.broadcast %add3A_190 : i32 to vector<16xi32>
      %add3A_192 = arith.addi %add3A_191, %iota3A_189 : vector<16xi32>
      %gather3A_193 = tpu.vector_load_idx %arg9[%add3A_192, %broadcast_in_dim3A] : memref<80x128xf32, #tpu.memory_space<vmem>>[vector<16xi32>, vector<16xi32>], vector<16xf32>,
      %mul3A_194 = arith.constant 8 : i32
      %mul3A_195 = arith.muli %add3A_142, %mul3A_194 : i32
      %add3A_196 = arith.constant 0 : i32
      %add3A_197 = arith.addi %mul3A_195, %add3A_196 : i32
      %swap3A_198 = arith.index_cast %add3A_197 : i32 to index
      %swap3A_199 = arith.constant 32 : index
      %swap3A_200 = tpu.vector_load %arg7[%swap3A_198, %swap3A_199] {strides = array<i32>} : memref<160x80xf32, #tpu.memory_space<vmem>>, vector<16xf32>,
      tpu.vector_store %arg7[%swap3A_198, %swap3A_199], %gather3A_193 {strides = array<i32>} : memref<160x80xf32, #tpu.memory_space<vmem>>, vector<16xf32>,
      %iota3A_201 = tpu.iota {dimensions = array<i32: 0>} : vector<16xi32>
      %add3A_202 = arith.constant 48 : i32
      %add3A_203 = vector.broadcast %add3A_202 : i32 to vector<16xi32>
      %add3A_204 = arith.addi %add3A_203, %iota3A_201 : vector<16xi32>
      %gather3A_205 = tpu.vector_load_idx %arg9[%add3A_204, %broadcast_in_dim3A] : memref<80x128xf32, #tpu.memory_space<vmem>>[vector<16xi32>, vector<16xi32>], vector<16xf32>,
      %mul3A_206 = arith.constant 8 : i32
      %mul3A_207 = arith.muli %add3A_142, %mul3A_206 : i32
      %add3A_208 = arith.constant 0 : i32
      %add3A_209 = arith.addi %mul3A_207, %add3A_208 : i32
      %swap3A_210 = arith.index_cast %add3A_209 : i32 to index
      %swap3A_211 = arith.constant 48 : index
      %swap3A_212 = tpu.vector_load %arg7[%swap3A_210, %swap3A_211] {strides = array<i32>} : memref<160x80xf32, #tpu.memory_space<vmem>>, vector<16xf32>,
      tpu.vector_store %arg7[%swap3A_210, %swap3A_211], %gather3A_205 {strides = array<i32>} : memref<160x80xf32, #tpu.memory_space<vmem>>, vector<16xf32>,
      %iota3A_213 = tpu.iota {dimensions = array<i32: 0>} : vector<16xi32>
      %add3A_214 = arith.constant 64 : i32
      %add3A_215 = vector.broadcast %add3A_214 : i32 to vector<16xi32>
      %add3A_216 = arith.addi %add3A_215, %iota3A_213 : vector<16xi32>
      %gather3A_217 = tpu.vector_load_idx %arg9[%add3A_216, %broadcast_in_dim3A] : memref<80x128xf32, #tpu.memory_space<vmem>>[vector<16xi32>, vector<16xi32>], vector<16xf32>,
      %mul3A_218 = arith.constant 8 : i32
      %mul3A_219 = arith.muli %add3A_142, %mul3A_218 : i32
      %add3A_220 = arith.constant 0 : i32
      %add3A_221 = arith.addi %mul3A_219, %add3A_220 : i32
      %swap3A_222 = arith.index_cast %add3A_221 : i32 to index
      %swap3A_223 = arith.constant 64 : index
      %swap3A_224 = tpu.vector_load %arg7[%swap3A_222, %swap3A_223] {strides = array<i32>} : memref<160x80xf32, #tpu.memory_space<vmem>>, vector<16xf32>,
      tpu.vector_store %arg7[%swap3A_222, %swap3A_223], %gather3A_217 {strides = array<i32>} : memref<160x80xf32, #tpu.memory_space<vmem>>, vector<16xf32>,
      %mul3A_225 = arith.constant 8 : i32
      %mul3A_226 = arith.muli %add3A_142, %mul3A_225 : i32
      %add3A_227 = arith.constant 0 : i32
      %add3A_228 = arith.addi %mul3A_226, %add3A_227 : i32
      %mul3A_229 = arith.constant 8 : i32
      %mul3A_230 = arith.muli %add3A_142, %mul3A_229 : i32
      %add3A_231 = arith.addi %mul3A_2, %mul3A_230 : i32
      %add3A_232 = arith.constant 0 : i32
      %add3A_233 = arith.addi %add3A_231, %add3A_232 : i32
      %dma_start3A_234 = arith.constant 0 : i32
      %dma_start3A_235 = tpu.memref_slice %arg7[%add3A_228, %dma_start3A_234] : memref<160x80xf32, #tpu.memory_space<vmem>> -> memref<1x65xf32, #tpu.memory_space<vmem>>
      %dma_start3A_236 = tpu.memref_squeeze %dma_start3A_235 : memref<1x65xf32, #tpu.memory_space<vmem>> -> memref<65xf32, #tpu.memory_space<vmem>>
      %dma_start3A_237 = arith.constant 0 : i32
      %dma_start3A_238 = tpu.memref_slice %arg5[%add3A_233, %dma_start3A_237] : memref<5120x65xf32, #tpu.memory_space<hbm>> -> memref<1x65xf32, #tpu.memory_space<hbm>>
      %dma_start3A_239 = tpu.memref_squeeze %dma_start3A_238 : memref<1x65xf32, #tpu.memory_space<hbm>> -> memref<65xf32, #tpu.memory_space<hbm>>
      %dma_start3A_240 = arith.constant 0 : i32
      %dma_start3A_241 = tpu.memref_slice %arg5[%add3A_233, %dma_start3A_240] : memref<5120x65xf32, #tpu.memory_space<hbm>> -> memref<1x65xf32, #tpu.memory_space<hbm>>
      %dma_start3A_242 = tpu.memref_squeeze %dma_start3A_241 : memref<1x65xf32, #tpu.memory_space<hbm>> -> memref<65xf32, #tpu.memory_space<hbm>>
      %dma_start3A_243 = arith.constant 0 : i32
      %dma_start3A_244 = tpu.memref_slice %arg7[%add3A_228, %dma_start3A_243] : memref<160x80xf32, #tpu.memory_space<vmem>> -> memref<1x65xf32, #tpu.memory_space<vmem>>
      %dma_start3A_245 = tpu.memref_squeeze %dma_start3A_244 : memref<1x65xf32, #tpu.memory_space<vmem>> -> memref<65xf32, #tpu.memory_space<vmem>>
      tpu.enqueue_dma source(%dma_start3A_245 : memref<65xf32, #tpu.memory_space<vmem>>) target(%dma_start3A_242 : memref<65xf32, #tpu.memory_space<hbm>>) target_semaphore(%arg8 : memref<!tpu.dma_semaphore, #tpu.memory_space<semaphore_mem>>)
      %lt3A_246 = arith.constant 19 : i32
      %lt3A_247 = arith.cmpi slt, %add3A_142, %lt3A_246 : i32
      %convert_element_type3A_248 = arith.extui %lt3A_247 : i1 to i32
      %cond3A_249 = arith.constant 0 : i32
      %cond3A_250 = arith.cmpi ne, %convert_element_type3A_248, %cond3A_249 : i32
      scf.if %cond3A_250 {
        %slice3A_972 = vector.extract_strided_slice %get3A_152 {offsets = [0], sizes = [1], strides = [1]} : vector<16xi32> to vector<1xi32>
        %squeeze3A_973 = vector.extract %slice3A_972[0] : i32 from vector<1xi32>
        %and3A_974 = arith.constant -128 : i32
        %and3A_975 = arith.andi %squeeze3A_973, %and3A_974 : i32
        %multiple_of3A_976 = tpu.assume_multiple %and3A_975, 128 : i32
        %dma_start3A_977 = arith.constant 0 : i32
        %dma_start3A_978 = arith.constant 0 : i32
        %dma_start3A_979 = tpu.memref_slice %arg9[%dma_start3A_977, %dma_start3A_978] : memref<80x128xf32, #tpu.memory_space<vmem>> -> memref<65x128xf32, #tpu.memory_space<vmem>>
        %dma_start3A_980 = arith.constant 0 : i32
        %dma_start3A_981 = tpu.memref_slice %arg4[%dma_start3A_980, %multiple_of3A_976] : memref<65x1000000xf32, #tpu.memory_space<hbm>> -> memref<65x128xf32, #tpu.memory_space<hbm>>
        %dma_start3A_982 = arith.constant 0 : i32
        %dma_start3A_983 = arith.constant 0 : i32
        %dma_start3A_984 = tpu.memref_slice %arg9[%dma_start3A_982, %dma_start3A_983] : memref<80x128xf32, #tpu.memory_space<vmem>> -> memref<65x128xf32, #tpu.memory_space<vmem>>
        %dma_start3A_985 = arith.constant 0 : i32
        %dma_start3A_986 = tpu.memref_slice %arg4[%dma_start3A_985, %multiple_of3A_976] : memref<65x1000000xf32, #tpu.memory_space<hbm>> -> memref<65x128xf32, #tpu.memory_space<hbm>>
        tpu.enqueue_dma source(%dma_start3A_986 : memref<65x128xf32, #tpu.memory_space<hbm>>) target(%dma_start3A_984 : memref<65x128xf32, #tpu.memory_space<vmem>>) target_semaphore(%arg17 : memref<!tpu.dma_semaphore, #tpu.memory_space<semaphore_mem>>)
      } else {
      }
      %dma_wait3A_251 = arith.constant 0 : i32
      %dma_wait3A_252 = arith.constant 0 : i32
      %dma_wait3A_253 = tpu.memref_slice %arg10[%dma_wait3A_251, %dma_wait3A_252] : memref<80x128xf32, #tpu.memory_space<vmem>> -> memref<65x128xf32, #tpu.memory_space<vmem>>
      %dma_wait3A_254 = arith.constant 0 : i32
      %dma_wait3A_255 = arith.constant 0 : i32
      %dma_wait3A_256 = tpu.memref_slice %arg4[%dma_wait3A_254, %dma_wait3A_255] : memref<65x1000000xf32, #tpu.memory_space<hbm>> -> memref<65x128xf32, #tpu.memory_space<hbm>>
      %dma_wait3A_257 = arith.constant 0 : i32
      %dma_wait3A_258 = arith.constant 0 : i32
      %dma_wait3A_259 = tpu.memref_slice %arg10[%dma_wait3A_257, %dma_wait3A_258] : memref<80x128xf32, #tpu.memory_space<vmem>> -> memref<65x128xf32, #tpu.memory_space<vmem>>
      %dma_wait3A_260 = arith.constant 0 : i32
      %dma_wait3A_261 = arith.constant 0 : i32
      %dma_wait3A_262 = tpu.memref_slice %arg4[%dma_wait3A_260, %dma_wait3A_261] : memref<65x1000000xf32, #tpu.memory_space<hbm>> -> memref<65x128xf32, #tpu.memory_space<hbm>>
      tpu.wait_dma2 semaphore(%arg18 : memref<!tpu.dma_semaphore, #tpu.memory_space<semaphore_mem>>) src(%dma_wait3A_262 : memref<65x128xf32, #tpu.memory_space<hbm>>) dst(%dma_wait3A_259 : memref<65x128xf32, #tpu.memory_space<vmem>>)
      %slice3A_263 = vector.extract_strided_slice %get3A_146 {offsets = [1], sizes = [1], strides = [1]} : vector<16xi32> to vector<1xi32>
      %squeeze3A_264 = vector.extract %slice3A_263[0] : i32 from vector<1xi32>
      %and3A_265 = arith.constant 127 : i32
      %and3A_266 = arith.andi %squeeze3A_264, %and3A_265 : i32
      %broadcast_in_dim3A_267 = vector.broadcast %and3A_266 : i32 to vector<16xi32>
      %iota3A_268 = tpu.iota {dimensions = array<i32: 0>} : vector<16xi32>
      %add3A_269 = arith.constant 0 : i32
      %add3A_270 = vector.broadcast %add3A_269 : i32 to vector<16xi32>
      %add3A_271 = arith.addi %add3A_270, %iota3A_268 : vector<16xi32>
      %gather3A_272 = tpu.vector_load_idx %arg10[%add3A_271, %broadcast_in_dim3A_267] : memref<80x128xf32, #tpu.memory_space<vmem>>[vector<16xi32>, vector<16xi32>], vector<16xf32>,
      %mul3A_273 = arith.constant 8 : i32
      %mul3A_274 = arith.muli %add3A_142, %mul3A_273 : i32
      %add3A_275 = arith.constant 1 : i32
      %add3A_276 = arith.addi %mul3A_274, %add3A_275 : i32
      %swap3A_277 = arith.index_cast %add3A_276 : i32 to index
      %swap3A_278 = arith.constant 0 : index
      %swap3A_279 = tpu.vector_load %arg7[%swap3A_277, %swap3A_278] {strides = array<i32>} : memref<160x80xf32, #tpu.memory_space<vmem>>, vector<16xf32>,
      tpu.vector_store %arg7[%swap3A_277, %swap3A_278], %gather3A_272 {strides = array<i32>} : memref<160x80xf32, #tpu.memory_space<vmem>>, vector<16xf32>,
      %iota3A_280 = tpu.iota {dimensions = array<i32: 0>} : vector<16xi32>
      %add3A_281 = arith.constant 16 : i32
      %add3A_282 = vector.broadcast %add3A_281 : i32 to vector<16xi32>
      %add3A_283 = arith.addi %add3A_282, %iota3A_280 : vector<16xi32>
      %gather3A_284 = tpu.vector_load_idx %arg10[%add3A_283, %broadcast_in_dim3A_267] : memref<80x128xf32, #tpu.memory_space<vmem>>[vector<16xi32>, vector<16xi32>], vector<16xf32>,
      %mul3A_285 = arith.constant 8 : i32
      %mul3A_286 = arith.muli %add3A_142, %mul3A_285 : i32
      %add3A_287 = arith.constant 1 : i32
      %add3A_288 = arith.addi %mul3A_286, %add3A_287 : i32
      %swap3A_289 = arith.index_cast %add3A_288 : i32 to index
      %swap3A_290 = arith.constant 16 : index
      %swap3A_291 = tpu.vector_load %arg7[%swap3A_289, %swap3A_290] {strides = array<i32>} : memref<160x80xf32, #tpu.memory_space<vmem>>, vector<16xf32>,
      tpu.vector_store %arg7[%swap3A_289, %swap3A_290], %gather3A_284 {strides = array<i32>} : memref<160x80xf32, #tpu.memory_space<vmem>>, vector<16xf32>,
      %iota3A_292 = tpu.iota {dimensions = array<i32: 0>} : vector<16xi32>
      %add3A_293 = arith.constant 32 : i32
      %add3A_294 = vector.broadcast %add3A_293 : i32 to vector<16xi32>
      %add3A_295 = arith.addi %add3A_294, %iota3A_292 : vector<16xi32>
      %gather3A_296 = tpu.vector_load_idx %arg10[%add3A_295, %broadcast_in_dim3A_267] : memref<80x128xf32, #tpu.memory_space<vmem>>[vector<16xi32>, vector<16xi32>], vector<16xf32>,
      %mul3A_297 = arith.constant 8 : i32
      %mul3A_298 = arith.muli %add3A_142, %mul3A_297 : i32
      %add3A_299 = arith.constant 1 : i32
      %add3A_300 = arith.addi %mul3A_298, %add3A_299 : i32
      %swap3A_301 = arith.index_cast %add3A_300 : i32 to index
      %swap3A_302 = arith.constant 32 : index
      %swap3A_303 = tpu.vector_load %arg7[%swap3A_301, %swap3A_302] {strides = array<i32>} : memref<160x80xf32, #tpu.memory_space<vmem>>, vector<16xf32>,
      tpu.vector_store %arg7[%swap3A_301, %swap3A_302], %gather3A_296 {strides = array<i32>} : memref<160x80xf32, #tpu.memory_space<vmem>>, vector<16xf32>,
      %iota3A_304 = tpu.iota {dimensions = array<i32: 0>} : vector<16xi32>
      %add3A_305 = arith.constant 48 : i32
      %add3A_306 = vector.broadcast %add3A_305 : i32 to vector<16xi32>
      %add3A_307 = arith.addi %add3A_306, %iota3A_304 : vector<16xi32>
      %gather3A_308 = tpu.vector_load_idx %arg10[%add3A_307, %broadcast_in_dim3A_267] : memref<80x128xf32, #tpu.memory_space<vmem>>[vector<16xi32>, vector<16xi32>], vector<16xf32>,
      %mul3A_309 = arith.constant 8 : i32
      %mul3A_310 = arith.muli %add3A_142, %mul3A_309 : i32
      %add3A_311 = arith.constant 1 : i32
      %add3A_312 = arith.addi %mul3A_310, %add3A_311 : i32
      %swap3A_313 = arith.index_cast %add3A_312 : i32 to index
      %swap3A_314 = arith.constant 48 : index
      %swap3A_315 = tpu.vector_load %arg7[%swap3A_313, %swap3A_314] {strides = array<i32>} : memref<160x80xf32, #tpu.memory_space<vmem>>, vector<16xf32>,
      tpu.vector_store %arg7[%swap3A_313, %swap3A_314], %gather3A_308 {strides = array<i32>} : memref<160x80xf32, #tpu.memory_space<vmem>>, vector<16xf32>,
      %iota3A_316 = tpu.iota {dimensions = array<i32: 0>} : vector<16xi32>
      %add3A_317 = arith.constant 64 : i32
      %add3A_318 = vector.broadcast %add3A_317 : i32 to vector<16xi32>
      %add3A_319 = arith.addi %add3A_318, %iota3A_316 : vector<16xi32>
      %gather3A_320 = tpu.vector_load_idx %arg10[%add3A_319, %broadcast_in_dim3A_267] : memref<80x128xf32, #tpu.memory_space<vmem>>[vector<16xi32>, vector<16xi32>], vector<16xf32>,
      %mul3A_321 = arith.constant 8 : i32
      %mul3A_322 = arith.muli %add3A_142, %mul3A_321 : i32
      %add3A_323 = arith.constant 1 : i32
      %add3A_324 = arith.addi %mul3A_322, %add3A_323 : i32
      %swap3A_325 = arith.index_cast %add3A_324 : i32 to index
      %swap3A_326 = arith.constant 64 : index
      %swap3A_327 = tpu.vector_load %arg7[%swap3A_325, %swap3A_326] {strides = array<i32>} : memref<160x80xf32, #tpu.memory_space<vmem>>, vector<16xf32>,
      tpu.vector_store %arg7[%swap3A_325, %swap3A_326], %gather3A_320 {strides = array<i32>} : memref<160x80xf32, #tpu.memory_space<vmem>>, vector<16xf32>,
      %mul3A_328 = arith.constant 8 : i32
      %mul3A_329 = arith.muli %add3A_142, %mul3A_328 : i32
      %add3A_330 = arith.constant 1 : i32
      %add3A_331 = arith.addi %mul3A_329, %add3A_330 : i32
      %mul3A_332 = arith.constant 8 : i32
      %mul3A_333 = arith.muli %add3A_142, %mul3A_332 : i32
      %add3A_334 = arith.addi %mul3A_2, %mul3A_333 : i32
      %add3A_335 = arith.constant 1 : i32
      %add3A_336 = arith.addi %add3A_334, %add3A_335 : i32
      %dma_start3A_337 = arith.constant 0 : i32
      %dma_start3A_338 = tpu.memref_slice %arg7[%add3A_331, %dma_start3A_337] : memref<160x80xf32, #tpu.memory_space<vmem>> -> memref<1x65xf32, #tpu.memory_space<vmem>>
      %dma_start3A_339 = tpu.memref_squeeze %dma_start3A_338 : memref<1x65xf32, #tpu.memory_space<vmem>> -> memref<65xf32, #tpu.memory_space<vmem>>
      %dma_start3A_340 = arith.constant 0 : i32
      %dma_start3A_341 = tpu.memref_slice %arg5[%add3A_336, %dma_start3A_340] : memref<5120x65xf32, #tpu.memory_space<hbm>> -> memref<1x65xf32, #tpu.memory_space<hbm>>
      %dma_start3A_342 = tpu.memref_squeeze %dma_start3A_341 : memref<1x65xf32, #tpu.memory_space<hbm>> -> memref<65xf32, #tpu.memory_space<hbm>>
      %dma_start3A_343 = arith.constant 0 : i32
      %dma_start3A_344 = tpu.memref_slice %arg5[%add3A_336, %dma_start3A_343] : memref<5120x65xf32, #tpu.memory_space<hbm>> -> memref<1x65xf32, #tpu.memory_space<hbm>>
      %dma_start3A_345 = tpu.memref_squeeze %dma_start3A_344 : memref<1x65xf32, #tpu.memory_space<hbm>> -> memref<65xf32, #tpu.memory_space<hbm>>
      %dma_start3A_346 = arith.constant 0 : i32
      %dma_start3A_347 = tpu.memref_slice %arg7[%add3A_331, %dma_start3A_346] : memref<160x80xf32, #tpu.memory_space<vmem>> -> memref<1x65xf32, #tpu.memory_space<vmem>>
      %dma_start3A_348 = tpu.memref_squeeze %dma_start3A_347 : memref<1x65xf32, #tpu.memory_space<vmem>> -> memref<65xf32, #tpu.memory_space<vmem>>
      tpu.enqueue_dma source(%dma_start3A_348 : memref<65xf32, #tpu.memory_space<vmem>>) target(%dma_start3A_345 : memref<65xf32, #tpu.memory_space<hbm>>) target_semaphore(%arg8 : memref<!tpu.dma_semaphore, #tpu.memory_space<semaphore_mem>>)
      %lt3A_349 = arith.constant 19 : i32
      %lt3A_350 = arith.cmpi slt, %add3A_142, %lt3A_349 : i32
      %convert_element_type3A_351 = arith.extui %lt3A_350 : i1 to i32
      %cond3A_352 = arith.constant 0 : i32
      %cond3A_353 = arith.cmpi ne, %convert_element_type3A_351, %cond3A_352 : i32
      scf.if %cond3A_353 {
        %slice3A_972 = vector.extract_strided_slice %get3A_152 {offsets = [1], sizes = [1], strides = [1]} : vector<16xi32> to vector<1xi32>
        %squeeze3A_973 = vector.extract %slice3A_972[0] : i32 from vector<1xi32>
        %and3A_974 = arith.constant -128 : i32
        %and3A_975 = arith.andi %squeeze3A_973, %and3A_974 : i32
        %multiple_of3A_976 = tpu.assume_multiple %and3A_975, 128 : i32
        %dma_start3A_977 = arith.constant 0 : i32
        %dma_start3A_978 = arith.constant 0 : i32
        %dma_start3A_979 = tpu.memref_slice %arg10[%dma_start3A_977, %dma_start3A_978] : memref<80x128xf32, #tpu.memory_space<vmem>> -> memref<65x128xf32, #tpu.memory_space<vmem>>
        %dma_start3A_980 = arith.constant 0 : i32
        %dma_start3A_981 = tpu.memref_slice %arg4[%dma_start3A_980, %multiple_of3A_976] : memref<65x1000000xf32, #tpu.memory_space<hbm>> -> memref<65x128xf32, #tpu.memory_space<hbm>>
        %dma_start3A_982 = arith.constant 0 : i32
        %dma_start3A_983 = arith.constant 0 : i32
        %dma_start3A_984 = tpu.memref_slice %arg10[%dma_start3A_982, %dma_start3A_983] : memref<80x128xf32, #tpu.memory_space<vmem>> -> memref<65x128xf32, #tpu.memory_space<vmem>>
        %dma_start3A_985 = arith.constant 0 : i32
        %dma_start3A_986 = tpu.memref_slice %arg4[%dma_start3A_985, %multiple_of3A_976] : memref<65x1000000xf32, #tpu.memory_space<hbm>> -> memref<65x128xf32, #tpu.memory_space<hbm>>
        tpu.enqueue_dma source(%dma_start3A_986 : memref<65x128xf32, #tpu.memory_space<hbm>>) target(%dma_start3A_984 : memref<65x128xf32, #tpu.memory_space<vmem>>) target_semaphore(%arg18 : memref<!tpu.dma_semaphore, #tpu.memory_space<semaphore_mem>>)
      } else {
      }
      %dma_wait3A_354 = arith.constant 0 : i32
      %dma_wait3A_355 = arith.constant 0 : i32
      %dma_wait3A_356 = tpu.memref_slice %arg11[%dma_wait3A_354, %dma_wait3A_355] : memref<80x128xf32, #tpu.memory_space<vmem>> -> memref<65x128xf32, #tpu.memory_space<vmem>>
      %dma_wait3A_357 = arith.constant 0 : i32
      %dma_wait3A_358 = arith.constant 0 : i32
      %dma_wait3A_359 = tpu.memref_slice %arg4[%dma_wait3A_357, %dma_wait3A_358] : memref<65x1000000xf32, #tpu.memory_space<hbm>> -> memref<65x128xf32, #tpu.memory_space<hbm>>
      %dma_wait3A_360 = arith.constant 0 : i32
      %dma_wait3A_361 = arith.constant 0 : i32
      %dma_wait3A_362 = tpu.memref_slice %arg11[%dma_wait3A_360, %dma_wait3A_361] : memref<80x128xf32, #tpu.memory_space<vmem>> -> memref<65x128xf32, #tpu.memory_space<vmem>>
      %dma_wait3A_363 = arith.constant 0 : i32
      %dma_wait3A_364 = arith.constant 0 : i32
      %dma_wait3A_365 = tpu.memref_slice %arg4[%dma_wait3A_363, %dma_wait3A_364] : memref<65x1000000xf32, #tpu.memory_space<hbm>> -> memref<65x128xf32, #tpu.memory_space<hbm>>
      tpu.wait_dma2 semaphore(%arg19 : memref<!tpu.dma_semaphore, #tpu.memory_space<semaphore_mem>>) src(%dma_wait3A_365 : memref<65x128xf32, #tpu.memory_space<hbm>>) dst(%dma_wait3A_362 : memref<65x128xf32, #tpu.memory_space<vmem>>)
      %slice3A_366 = vector.extract_strided_slice %get3A_146 {offsets = [2], sizes = [1], strides = [1]} : vector<16xi32> to vector<1xi32>
      %squeeze3A_367 = vector.extract %slice3A_366[0] : i32 from vector<1xi32>
      %and3A_368 = arith.constant 127 : i32
      %and3A_369 = arith.andi %squeeze3A_367, %and3A_368 : i32
      %broadcast_in_dim3A_370 = vector.broadcast %and3A_369 : i32 to vector<16xi32>
      %iota3A_371 = tpu.iota {dimensions = array<i32: 0>} : vector<16xi32>
      %add3A_372 = arith.constant 0 : i32
      %add3A_373 = vector.broadcast %add3A_372 : i32 to vector<16xi32>
      %add3A_374 = arith.addi %add3A_373, %iota3A_371 : vector<16xi32>
      %gather3A_375 = tpu.vector_load_idx %arg11[%add3A_374, %broadcast_in_dim3A_370] : memref<80x128xf32, #tpu.memory_space<vmem>>[vector<16xi32>, vector<16xi32>], vector<16xf32>,
      %mul3A_376 = arith.constant 8 : i32
      %mul3A_377 = arith.muli %add3A_142, %mul3A_376 : i32
      %add3A_378 = arith.constant 2 : i32
      %add3A_379 = arith.addi %mul3A_377, %add3A_378 : i32
      %swap3A_380 = arith.index_cast %add3A_379 : i32 to index
      %swap3A_381 = arith.constant 0 : index
      %swap3A_382 = tpu.vector_load %arg7[%swap3A_380, %swap3A_381] {strides = array<i32>} : memref<160x80xf32, #tpu.memory_space<vmem>>, vector<16xf32>,
      tpu.vector_store %arg7[%swap3A_380, %swap3A_381], %gather3A_375 {strides = array<i32>} : memref<160x80xf32, #tpu.memory_space<vmem>>, vector<16xf32>,
      %iota3A_383 = tpu.iota {dimensions = array<i32: 0>} : vector<16xi32>
      %add3A_384 = arith.constant 16 : i32
      %add3A_385 = vector.broadcast %add3A_384 : i32 to vector<16xi32>
      %add3A_386 = arith.addi %add3A_385, %iota3A_383 : vector<16xi32>
      %gather3A_387 = tpu.vector_load_idx %arg11[%add3A_386, %broadcast_in_dim3A_370] : memref<80x128xf32, #tpu.memory_space<vmem>>[vector<16xi32>, vector<16xi32>], vector<16xf32>,
      %mul3A_388 = arith.constant 8 : i32
      %mul3A_389 = arith.muli %add3A_142, %mul3A_388 : i32
      %add3A_390 = arith.constant 2 : i32
      %add3A_391 = arith.addi %mul3A_389, %add3A_390 : i32
      %swap3A_392 = arith.index_cast %add3A_391 : i32 to index
      %swap3A_393 = arith.constant 16 : index
      %swap3A_394 = tpu.vector_load %arg7[%swap3A_392, %swap3A_393] {strides = array<i32>} : memref<160x80xf32, #tpu.memory_space<vmem>>, vector<16xf32>,
      tpu.vector_store %arg7[%swap3A_392, %swap3A_393], %gather3A_387 {strides = array<i32>} : memref<160x80xf32, #tpu.memory_space<vmem>>, vector<16xf32>,
      %iota3A_395 = tpu.iota {dimensions = array<i32: 0>} : vector<16xi32>
      %add3A_396 = arith.constant 32 : i32
      %add3A_397 = vector.broadcast %add3A_396 : i32 to vector<16xi32>
      %add3A_398 = arith.addi %add3A_397, %iota3A_395 : vector<16xi32>
      %gather3A_399 = tpu.vector_load_idx %arg11[%add3A_398, %broadcast_in_dim3A_370] : memref<80x128xf32, #tpu.memory_space<vmem>>[vector<16xi32>, vector<16xi32>], vector<16xf32>,
      %mul3A_400 = arith.constant 8 : i32
      %mul3A_401 = arith.muli %add3A_142, %mul3A_400 : i32
      %add3A_402 = arith.constant 2 : i32
      %add3A_403 = arith.addi %mul3A_401, %add3A_402 : i32
      %swap3A_404 = arith.index_cast %add3A_403 : i32 to index
      %swap3A_405 = arith.constant 32 : index
      %swap3A_406 = tpu.vector_load %arg7[%swap3A_404, %swap3A_405] {strides = array<i32>} : memref<160x80xf32, #tpu.memory_space<vmem>>, vector<16xf32>,
      tpu.vector_store %arg7[%swap3A_404, %swap3A_405], %gather3A_399 {strides = array<i32>} : memref<160x80xf32, #tpu.memory_space<vmem>>, vector<16xf32>,
      %iota3A_407 = tpu.iota {dimensions = array<i32: 0>} : vector<16xi32>
      %add3A_408 = arith.constant 48 : i32
      %add3A_409 = vector.broadcast %add3A_408 : i32 to vector<16xi32>
      %add3A_410 = arith.addi %add3A_409, %iota3A_407 : vector<16xi32>
      %gather3A_411 = tpu.vector_load_idx %arg11[%add3A_410, %broadcast_in_dim3A_370] : memref<80x128xf32, #tpu.memory_space<vmem>>[vector<16xi32>, vector<16xi32>], vector<16xf32>,
      %mul3A_412 = arith.constant 8 : i32
      %mul3A_413 = arith.muli %add3A_142, %mul3A_412 : i32
      %add3A_414 = arith.constant 2 : i32
      %add3A_415 = arith.addi %mul3A_413, %add3A_414 : i32
      %swap3A_416 = arith.index_cast %add3A_415 : i32 to index
      %swap3A_417 = arith.constant 48 : index
      %swap3A_418 = tpu.vector_load %arg7[%swap3A_416, %swap3A_417] {strides = array<i32>} : memref<160x80xf32, #tpu.memory_space<vmem>>, vector<16xf32>,
      tpu.vector_store %arg7[%swap3A_416, %swap3A_417], %gather3A_411 {strides = array<i32>} : memref<160x80xf32, #tpu.memory_space<vmem>>, vector<16xf32>,
      %iota3A_419 = tpu.iota {dimensions = array<i32: 0>} : vector<16xi32>
      %add3A_420 = arith.constant 64 : i32
      %add3A_421 = vector.broadcast %add3A_420 : i32 to vector<16xi32>
      %add3A_422 = arith.addi %add3A_421, %iota3A_419 : vector<16xi32>
      %gather3A_423 = tpu.vector_load_idx %arg11[%add3A_422, %broadcast_in_dim3A_370] : memref<80x128xf32, #tpu.memory_space<vmem>>[vector<16xi32>, vector<16xi32>], vector<16xf32>,
      %mul3A_424 = arith.constant 8 : i32
      %mul3A_425 = arith.muli %add3A_142, %mul3A_424 : i32
      %add3A_426 = arith.constant 2 : i32
      %add3A_427 = arith.addi %mul3A_425, %add3A_426 : i32
      %swap3A_428 = arith.index_cast %add3A_427 : i32 to index
      %swap3A_429 = arith.constant 64 : index
      %swap3A_430 = tpu.vector_load %arg7[%swap3A_428, %swap3A_429] {strides = array<i32>} : memref<160x80xf32, #tpu.memory_space<vmem>>, vector<16xf32>,
      tpu.vector_store %arg7[%swap3A_428, %swap3A_429], %gather3A_423 {strides = array<i32>} : memref<160x80xf32, #tpu.memory_space<vmem>>, vector<16xf32>,
      %mul3A_431 = arith.constant 8 : i32
      %mul3A_432 = arith.muli %add3A_142, %mul3A_431 : i32
      %add3A_433 = arith.constant 2 : i32
      %add3A_434 = arith.addi %mul3A_432, %add3A_433 : i32
      %mul3A_435 = arith.constant 8 : i32
      %mul3A_436 = arith.muli %add3A_142, %mul3A_435 : i32
      %add3A_437 = arith.addi %mul3A_2, %mul3A_436 : i32
      %add3A_438 = arith.constant 2 : i32
      %add3A_439 = arith.addi %add3A_437, %add3A_438 : i32
      %dma_start3A_440 = arith.constant 0 : i32
      %dma_start3A_441 = tpu.memref_slice %arg7[%add3A_434, %dma_start3A_440] : memref<160x80xf32, #tpu.memory_space<vmem>> -> memref<1x65xf32, #tpu.memory_space<vmem>>
      %dma_start3A_442 = tpu.memref_squeeze %dma_start3A_441 : memref<1x65xf32, #tpu.memory_space<vmem>> -> memref<65xf32, #tpu.memory_space<vmem>>
      %dma_start3A_443 = arith.constant 0 : i32
      %dma_start3A_444 = tpu.memref_slice %arg5[%add3A_439, %dma_start3A_443] : memref<5120x65xf32, #tpu.memory_space<hbm>> -> memref<1x65xf32, #tpu.memory_space<hbm>>
      %dma_start3A_445 = tpu.memref_squeeze %dma_start3A_444 : memref<1x65xf32, #tpu.memory_space<hbm>> -> memref<65xf32, #tpu.memory_space<hbm>>
      %dma_start3A_446 = arith.constant 0 : i32
      %dma_start3A_447 = tpu.memref_slice %arg5[%add3A_439, %dma_start3A_446] : memref<5120x65xf32, #tpu.memory_space<hbm>> -> memref<1x65xf32, #tpu.memory_space<hbm>>
      %dma_start3A_448 = tpu.memref_squeeze %dma_start3A_447 : memref<1x65xf32, #tpu.memory_space<hbm>> -> memref<65xf32, #tpu.memory_space<hbm>>
      %dma_start3A_449 = arith.constant 0 : i32
      %dma_start3A_450 = tpu.memref_slice %arg7[%add3A_434, %dma_start3A_449] : memref<160x80xf32, #tpu.memory_space<vmem>> -> memref<1x65xf32, #tpu.memory_space<vmem>>
      %dma_start3A_451 = tpu.memref_squeeze %dma_start3A_450 : memref<1x65xf32, #tpu.memory_space<vmem>> -> memref<65xf32, #tpu.memory_space<vmem>>
      tpu.enqueue_dma source(%dma_start3A_451 : memref<65xf32, #tpu.memory_space<vmem>>) target(%dma_start3A_448 : memref<65xf32, #tpu.memory_space<hbm>>) target_semaphore(%arg8 : memref<!tpu.dma_semaphore, #tpu.memory_space<semaphore_mem>>)
      %lt3A_452 = arith.constant 19 : i32
      %lt3A_453 = arith.cmpi slt, %add3A_142, %lt3A_452 : i32
      %convert_element_type3A_454 = arith.extui %lt3A_453 : i1 to i32
      %cond3A_455 = arith.constant 0 : i32
      %cond3A_456 = arith.cmpi ne, %convert_element_type3A_454, %cond3A_455 : i32
      scf.if %cond3A_456 {
        %slice3A_972 = vector.extract_strided_slice %get3A_152 {offsets = [2], sizes = [1], strides = [1]} : vector<16xi32> to vector<1xi32>
        %squeeze3A_973 = vector.extract %slice3A_972[0] : i32 from vector<1xi32>
        %and3A_974 = arith.constant -128 : i32
        %and3A_975 = arith.andi %squeeze3A_973, %and3A_974 : i32
        %multiple_of3A_976 = tpu.assume_multiple %and3A_975, 128 : i32
        %dma_start3A_977 = arith.constant 0 : i32
        %dma_start3A_978 = arith.constant 0 : i32
        %dma_start3A_979 = tpu.memref_slice %arg11[%dma_start3A_977, %dma_start3A_978] : memref<80x128xf32, #tpu.memory_space<vmem>> -> memref<65x128xf32, #tpu.memory_space<vmem>>
        %dma_start3A_980 = arith.constant 0 : i32
        %dma_start3A_981 = tpu.memref_slice %arg4[%dma_start3A_980, %multiple_of3A_976] : memref<65x1000000xf32, #tpu.memory_space<hbm>> -> memref<65x128xf32, #tpu.memory_space<hbm>>
        %dma_start3A_982 = arith.constant 0 : i32
        %dma_start3A_983 = arith.constant 0 : i32
        %dma_start3A_984 = tpu.memref_slice %arg11[%dma_start3A_982, %dma_start3A_983] : memref<80x128xf32, #tpu.memory_space<vmem>> -> memref<65x128xf32, #tpu.memory_space<vmem>>
        %dma_start3A_985 = arith.constant 0 : i32
        %dma_start3A_986 = tpu.memref_slice %arg4[%dma_start3A_985, %multiple_of3A_976] : memref<65x1000000xf32, #tpu.memory_space<hbm>> -> memref<65x128xf32, #tpu.memory_space<hbm>>
        tpu.enqueue_dma source(%dma_start3A_986 : memref<65x128xf32, #tpu.memory_space<hbm>>) target(%dma_start3A_984 : memref<65x128xf32, #tpu.memory_space<vmem>>) target_semaphore(%arg19 : memref<!tpu.dma_semaphore, #tpu.memory_space<semaphore_mem>>)
      } else {
      }
      %dma_wait3A_457 = arith.constant 0 : i32
      %dma_wait3A_458 = arith.constant 0 : i32
      %dma_wait3A_459 = tpu.memref_slice %arg12[%dma_wait3A_457, %dma_wait3A_458] : memref<80x128xf32, #tpu.memory_space<vmem>> -> memref<65x128xf32, #tpu.memory_space<vmem>>
      %dma_wait3A_460 = arith.constant 0 : i32
      %dma_wait3A_461 = arith.constant 0 : i32
      %dma_wait3A_462 = tpu.memref_slice %arg4[%dma_wait3A_460, %dma_wait3A_461] : memref<65x1000000xf32, #tpu.memory_space<hbm>> -> memref<65x128xf32, #tpu.memory_space<hbm>>
      %dma_wait3A_463 = arith.constant 0 : i32
      %dma_wait3A_464 = arith.constant 0 : i32
      %dma_wait3A_465 = tpu.memref_slice %arg12[%dma_wait3A_463, %dma_wait3A_464] : memref<80x128xf32, #tpu.memory_space<vmem>> -> memref<65x128xf32, #tpu.memory_space<vmem>>
      %dma_wait3A_466 = arith.constant 0 : i32
      %dma_wait3A_467 = arith.constant 0 : i32
      %dma_wait3A_468 = tpu.memref_slice %arg4[%dma_wait3A_466, %dma_wait3A_467] : memref<65x1000000xf32, #tpu.memory_space<hbm>> -> memref<65x128xf32, #tpu.memory_space<hbm>>
      tpu.wait_dma2 semaphore(%arg20 : memref<!tpu.dma_semaphore, #tpu.memory_space<semaphore_mem>>) src(%dma_wait3A_468 : memref<65x128xf32, #tpu.memory_space<hbm>>) dst(%dma_wait3A_465 : memref<65x128xf32, #tpu.memory_space<vmem>>)
      %slice3A_469 = vector.extract_strided_slice %get3A_146 {offsets = [3], sizes = [1], strides = [1]} : vector<16xi32> to vector<1xi32>
      %squeeze3A_470 = vector.extract %slice3A_469[0] : i32 from vector<1xi32>
      %and3A_471 = arith.constant 127 : i32
      %and3A_472 = arith.andi %squeeze3A_470, %and3A_471 : i32
      %broadcast_in_dim3A_473 = vector.broadcast %and3A_472 : i32 to vector<16xi32>
      %iota3A_474 = tpu.iota {dimensions = array<i32: 0>} : vector<16xi32>
      %add3A_475 = arith.constant 0 : i32
      %add3A_476 = vector.broadcast %add3A_475 : i32 to vector<16xi32>
      %add3A_477 = arith.addi %add3A_476, %iota3A_474 : vector<16xi32>
      %gather3A_478 = tpu.vector_load_idx %arg12[%add3A_477, %broadcast_in_dim3A_473] : memref<80x128xf32, #tpu.memory_space<vmem>>[vector<16xi32>, vector<16xi32>], vector<16xf32>,
      %mul3A_479 = arith.constant 8 : i32
      %mul3A_480 = arith.muli %add3A_142, %mul3A_479 : i32
      %add3A_481 = arith.constant 3 : i32
      %add3A_482 = arith.addi %mul3A_480, %add3A_481 : i32
      %swap3A_483 = arith.index_cast %add3A_482 : i32 to index
      %swap3A_484 = arith.constant 0 : index
      %swap3A_485 = tpu.vector_load %arg7[%swap3A_483, %swap3A_484] {strides = array<i32>} : memref<160x80xf32, #tpu.memory_space<vmem>>, vector<16xf32>,
      tpu.vector_store %arg7[%swap3A_483, %swap3A_484], %gather3A_478 {strides = array<i32>} : memref<160x80xf32, #tpu.memory_space<vmem>>, vector<16xf32>,
      %iota3A_486 = tpu.iota {dimensions = array<i32: 0>} : vector<16xi32>
      %add3A_487 = arith.constant 16 : i32
      %add3A_488 = vector.broadcast %add3A_487 : i32 to vector<16xi32>
      %add3A_489 = arith.addi %add3A_488, %iota3A_486 : vector<16xi32>
      %gather3A_490 = tpu.vector_load_idx %arg12[%add3A_489, %broadcast_in_dim3A_473] : memref<80x128xf32, #tpu.memory_space<vmem>>[vector<16xi32>, vector<16xi32>], vector<16xf32>,
      %mul3A_491 = arith.constant 8 : i32
      %mul3A_492 = arith.muli %add3A_142, %mul3A_491 : i32
      %add3A_493 = arith.constant 3 : i32
      %add3A_494 = arith.addi %mul3A_492, %add3A_493 : i32
      %swap3A_495 = arith.index_cast %add3A_494 : i32 to index
      %swap3A_496 = arith.constant 16 : index
      %swap3A_497 = tpu.vector_load %arg7[%swap3A_495, %swap3A_496] {strides = array<i32>} : memref<160x80xf32, #tpu.memory_space<vmem>>, vector<16xf32>,
      tpu.vector_store %arg7[%swap3A_495, %swap3A_496], %gather3A_490 {strides = array<i32>} : memref<160x80xf32, #tpu.memory_space<vmem>>, vector<16xf32>,
      %iota3A_498 = tpu.iota {dimensions = array<i32: 0>} : vector<16xi32>
      %add3A_499 = arith.constant 32 : i32
      %add3A_500 = vector.broadcast %add3A_499 : i32 to vector<16xi32>
      %add3A_501 = arith.addi %add3A_500, %iota3A_498 : vector<16xi32>
      %gather3A_502 = tpu.vector_load_idx %arg12[%add3A_501, %broadcast_in_dim3A_473] : memref<80x128xf32, #tpu.memory_space<vmem>>[vector<16xi32>, vector<16xi32>], vector<16xf32>,
      %mul3A_503 = arith.constant 8 : i32
      %mul3A_504 = arith.muli %add3A_142, %mul3A_503 : i32
      %add3A_505 = arith.constant 3 : i32
      %add3A_506 = arith.addi %mul3A_504, %add3A_505 : i32
      %swap3A_507 = arith.index_cast %add3A_506 : i32 to index
      %swap3A_508 = arith.constant 32 : index
      %swap3A_509 = tpu.vector_load %arg7[%swap3A_507, %swap3A_508] {strides = array<i32>} : memref<160x80xf32, #tpu.memory_space<vmem>>, vector<16xf32>,
      tpu.vector_store %arg7[%swap3A_507, %swap3A_508], %gather3A_502 {strides = array<i32>} : memref<160x80xf32, #tpu.memory_space<vmem>>, vector<16xf32>,
      %iota3A_510 = tpu.iota {dimensions = array<i32: 0>} : vector<16xi32>
      %add3A_511 = arith.constant 48 : i32
      %add3A_512 = vector.broadcast %add3A_511 : i32 to vector<16xi32>
      %add3A_513 = arith.addi %add3A_512, %iota3A_510 : vector<16xi32>
      %gather3A_514 = tpu.vector_load_idx %arg12[%add3A_513, %broadcast_in_dim3A_473] : memref<80x128xf32, #tpu.memory_space<vmem>>[vector<16xi32>, vector<16xi32>], vector<16xf32>,
      %mul3A_515 = arith.constant 8 : i32
      %mul3A_516 = arith.muli %add3A_142, %mul3A_515 : i32
      %add3A_517 = arith.constant 3 : i32
      %add3A_518 = arith.addi %mul3A_516, %add3A_517 : i32
      %swap3A_519 = arith.index_cast %add3A_518 : i32 to index
      %swap3A_520 = arith.constant 48 : index
      %swap3A_521 = tpu.vector_load %arg7[%swap3A_519, %swap3A_520] {strides = array<i32>} : memref<160x80xf32, #tpu.memory_space<vmem>>, vector<16xf32>,
      tpu.vector_store %arg7[%swap3A_519, %swap3A_520], %gather3A_514 {strides = array<i32>} : memref<160x80xf32, #tpu.memory_space<vmem>>, vector<16xf32>,
      %iota3A_522 = tpu.iota {dimensions = array<i32: 0>} : vector<16xi32>
      %add3A_523 = arith.constant 64 : i32
      %add3A_524 = vector.broadcast %add3A_523 : i32 to vector<16xi32>
      %add3A_525 = arith.addi %add3A_524, %iota3A_522 : vector<16xi32>
      %gather3A_526 = tpu.vector_load_idx %arg12[%add3A_525, %broadcast_in_dim3A_473] : memref<80x128xf32, #tpu.memory_space<vmem>>[vector<16xi32>, vector<16xi32>], vector<16xf32>,
      %mul3A_527 = arith.constant 8 : i32
      %mul3A_528 = arith.muli %add3A_142, %mul3A_527 : i32
      %add3A_529 = arith.constant 3 : i32
      %add3A_530 = arith.addi %mul3A_528, %add3A_529 : i32
      %swap3A_531 = arith.index_cast %add3A_530 : i32 to index
      %swap3A_532 = arith.constant 64 : index
      %swap3A_533 = tpu.vector_load %arg7[%swap3A_531, %swap3A_532] {strides = array<i32>} : memref<160x80xf32, #tpu.memory_space<vmem>>, vector<16xf32>,
      tpu.vector_store %arg7[%swap3A_531, %swap3A_532], %gather3A_526 {strides = array<i32>} : memref<160x80xf32, #tpu.memory_space<vmem>>, vector<16xf32>,
      %mul3A_534 = arith.constant 8 : i32
      %mul3A_535 = arith.muli %add3A_142, %mul3A_534 : i32
      %add3A_536 = arith.constant 3 : i32
      %add3A_537 = arith.addi %mul3A_535, %add3A_536 : i32
      %mul3A_538 = arith.constant 8 : i32
      %mul3A_539 = arith.muli %add3A_142, %mul3A_538 : i32
      %add3A_540 = arith.addi %mul3A_2, %mul3A_539 : i32
      %add3A_541 = arith.constant 3 : i32
      %add3A_542 = arith.addi %add3A_540, %add3A_541 : i32
      %dma_start3A_543 = arith.constant 0 : i32
      %dma_start3A_544 = tpu.memref_slice %arg7[%add3A_537, %dma_start3A_543] : memref<160x80xf32, #tpu.memory_space<vmem>> -> memref<1x65xf32, #tpu.memory_space<vmem>>
      %dma_start3A_545 = tpu.memref_squeeze %dma_start3A_544 : memref<1x65xf32, #tpu.memory_space<vmem>> -> memref<65xf32, #tpu.memory_space<vmem>>
      %dma_start3A_546 = arith.constant 0 : i32
      %dma_start3A_547 = tpu.memref_slice %arg5[%add3A_542, %dma_start3A_546] : memref<5120x65xf32, #tpu.memory_space<hbm>> -> memref<1x65xf32, #tpu.memory_space<hbm>>
      %dma_start3A_548 = tpu.memref_squeeze %dma_start3A_547 : memref<1x65xf32, #tpu.memory_space<hbm>> -> memref<65xf32, #tpu.memory_space<hbm>>
      %dma_start3A_549 = arith.constant 0 : i32
      %dma_start3A_550 = tpu.memref_slice %arg5[%add3A_542, %dma_start3A_549] : memref<5120x65xf32, #tpu.memory_space<hbm>> -> memref<1x65xf32, #tpu.memory_space<hbm>>
      %dma_start3A_551 = tpu.memref_squeeze %dma_start3A_550 : memref<1x65xf32, #tpu.memory_space<hbm>> -> memref<65xf32, #tpu.memory_space<hbm>>
      %dma_start3A_552 = arith.constant 0 : i32
      %dma_start3A_553 = tpu.memref_slice %arg7[%add3A_537, %dma_start3A_552] : memref<160x80xf32, #tpu.memory_space<vmem>> -> memref<1x65xf32, #tpu.memory_space<vmem>>
      %dma_start3A_554 = tpu.memref_squeeze %dma_start3A_553 : memref<1x65xf32, #tpu.memory_space<vmem>> -> memref<65xf32, #tpu.memory_space<vmem>>
      tpu.enqueue_dma source(%dma_start3A_554 : memref<65xf32, #tpu.memory_space<vmem>>) target(%dma_start3A_551 : memref<65xf32, #tpu.memory_space<hbm>>) target_semaphore(%arg8 : memref<!tpu.dma_semaphore, #tpu.memory_space<semaphore_mem>>)
      %lt3A_555 = arith.constant 19 : i32
      %lt3A_556 = arith.cmpi slt, %add3A_142, %lt3A_555 : i32
      %convert_element_type3A_557 = arith.extui %lt3A_556 : i1 to i32
      %cond3A_558 = arith.constant 0 : i32
      %cond3A_559 = arith.cmpi ne, %convert_element_type3A_557, %cond3A_558 : i32
      scf.if %cond3A_559 {
        %slice3A_972 = vector.extract_strided_slice %get3A_152 {offsets = [3], sizes = [1], strides = [1]} : vector<16xi32> to vector<1xi32>
        %squeeze3A_973 = vector.extract %slice3A_972[0] : i32 from vector<1xi32>
        %and3A_974 = arith.constant -128 : i32
        %and3A_975 = arith.andi %squeeze3A_973, %and3A_974 : i32
        %multiple_of3A_976 = tpu.assume_multiple %and3A_975, 128 : i32
        %dma_start3A_977 = arith.constant 0 : i32
        %dma_start3A_978 = arith.constant 0 : i32
        %dma_start3A_979 = tpu.memref_slice %arg12[%dma_start3A_977, %dma_start3A_978] : memref<80x128xf32, #tpu.memory_space<vmem>> -> memref<65x128xf32, #tpu.memory_space<vmem>>
        %dma_start3A_980 = arith.constant 0 : i32
        %dma_start3A_981 = tpu.memref_slice %arg4[%dma_start3A_980, %multiple_of3A_976] : memref<65x1000000xf32, #tpu.memory_space<hbm>> -> memref<65x128xf32, #tpu.memory_space<hbm>>
        %dma_start3A_982 = arith.constant 0 : i32
        %dma_start3A_983 = arith.constant 0 : i32
        %dma_start3A_984 = tpu.memref_slice %arg12[%dma_start3A_982, %dma_start3A_983] : memref<80x128xf32, #tpu.memory_space<vmem>> -> memref<65x128xf32, #tpu.memory_space<vmem>>
        %dma_start3A_985 = arith.constant 0 : i32
        %dma_start3A_986 = tpu.memref_slice %arg4[%dma_start3A_985, %multiple_of3A_976] : memref<65x1000000xf32, #tpu.memory_space<hbm>> -> memref<65x128xf32, #tpu.memory_space<hbm>>
        tpu.enqueue_dma source(%dma_start3A_986 : memref<65x128xf32, #tpu.memory_space<hbm>>) target(%dma_start3A_984 : memref<65x128xf32, #tpu.memory_space<vmem>>) target_semaphore(%arg20 : memref<!tpu.dma_semaphore, #tpu.memory_space<semaphore_mem>>)
      } else {
      }
      %dma_wait3A_560 = arith.constant 0 : i32
      %dma_wait3A_561 = arith.constant 0 : i32
      %dma_wait3A_562 = tpu.memref_slice %arg13[%dma_wait3A_560, %dma_wait3A_561] : memref<80x128xf32, #tpu.memory_space<vmem>> -> memref<65x128xf32, #tpu.memory_space<vmem>>
      %dma_wait3A_563 = arith.constant 0 : i32
      %dma_wait3A_564 = arith.constant 0 : i32
      %dma_wait3A_565 = tpu.memref_slice %arg4[%dma_wait3A_563, %dma_wait3A_564] : memref<65x1000000xf32, #tpu.memory_space<hbm>> -> memref<65x128xf32, #tpu.memory_space<hbm>>
      %dma_wait3A_566 = arith.constant 0 : i32
      %dma_wait3A_567 = arith.constant 0 : i32
      %dma_wait3A_568 = tpu.memref_slice %arg13[%dma_wait3A_566, %dma_wait3A_567] : memref<80x128xf32, #tpu.memory_space<vmem>> -> memref<65x128xf32, #tpu.memory_space<vmem>>
      %dma_wait3A_569 = arith.constant 0 : i32
      %dma_wait3A_570 = arith.constant 0 : i32
      %dma_wait3A_571 = tpu.memref_slice %arg4[%dma_wait3A_569, %dma_wait3A_570] : memref<65x1000000xf32, #tpu.memory_space<hbm>> -> memref<65x128xf32, #tpu.memory_space<hbm>>
      tpu.wait_dma2 semaphore(%arg21 : memref<!tpu.dma_semaphore, #tpu.memory_space<semaphore_mem>>) src(%dma_wait3A_571 : memref<65x128xf32, #tpu.memory_space<hbm>>) dst(%dma_wait3A_568 : memref<65x128xf32, #tpu.memory_space<vmem>>)
      %slice3A_572 = vector.extract_strided_slice %get3A_146 {offsets = [4], sizes = [1], strides = [1]} : vector<16xi32> to vector<1xi32>
      %squeeze3A_573 = vector.extract %slice3A_572[0] : i32 from vector<1xi32>
      %and3A_574 = arith.constant 127 : i32
      %and3A_575 = arith.andi %squeeze3A_573, %and3A_574 : i32
      %broadcast_in_dim3A_576 = vector.broadcast %and3A_575 : i32 to vector<16xi32>
      %iota3A_577 = tpu.iota {dimensions = array<i32: 0>} : vector<16xi32>
      %add3A_578 = arith.constant 0 : i32
      %add3A_579 = vector.broadcast %add3A_578 : i32 to vector<16xi32>
      %add3A_580 = arith.addi %add3A_579, %iota3A_577 : vector<16xi32>
      %gather3A_581 = tpu.vector_load_idx %arg13[%add3A_580, %broadcast_in_dim3A_576] : memref<80x128xf32, #tpu.memory_space<vmem>>[vector<16xi32>, vector<16xi32>], vector<16xf32>,
      %mul3A_582 = arith.constant 8 : i32
      %mul3A_583 = arith.muli %add3A_142, %mul3A_582 : i32
      %add3A_584 = arith.constant 4 : i32
      %add3A_585 = arith.addi %mul3A_583, %add3A_584 : i32
      %swap3A_586 = arith.index_cast %add3A_585 : i32 to index
      %swap3A_587 = arith.constant 0 : index
      %swap3A_588 = tpu.vector_load %arg7[%swap3A_586, %swap3A_587] {strides = array<i32>} : memref<160x80xf32, #tpu.memory_space<vmem>>, vector<16xf32>,
      tpu.vector_store %arg7[%swap3A_586, %swap3A_587], %gather3A_581 {strides = array<i32>} : memref<160x80xf32, #tpu.memory_space<vmem>>, vector<16xf32>,
      %iota3A_589 = tpu.iota {dimensions = array<i32: 0>} : vector<16xi32>
      %add3A_590 = arith.constant 16 : i32
      %add3A_591 = vector.broadcast %add3A_590 : i32 to vector<16xi32>
      %add3A_592 = arith.addi %add3A_591, %iota3A_589 : vector<16xi32>
      %gather3A_593 = tpu.vector_load_idx %arg13[%add3A_592, %broadcast_in_dim3A_576] : memref<80x128xf32, #tpu.memory_space<vmem>>[vector<16xi32>, vector<16xi32>], vector<16xf32>,
      %mul3A_594 = arith.constant 8 : i32
      %mul3A_595 = arith.muli %add3A_142, %mul3A_594 : i32
      %add3A_596 = arith.constant 4 : i32
      %add3A_597 = arith.addi %mul3A_595, %add3A_596 : i32
      %swap3A_598 = arith.index_cast %add3A_597 : i32 to index
      %swap3A_599 = arith.constant 16 : index
      %swap3A_600 = tpu.vector_load %arg7[%swap3A_598, %swap3A_599] {strides = array<i32>} : memref<160x80xf32, #tpu.memory_space<vmem>>, vector<16xf32>,
      tpu.vector_store %arg7[%swap3A_598, %swap3A_599], %gather3A_593 {strides = array<i32>} : memref<160x80xf32, #tpu.memory_space<vmem>>, vector<16xf32>,
      %iota3A_601 = tpu.iota {dimensions = array<i32: 0>} : vector<16xi32>
      %add3A_602 = arith.constant 32 : i32
      %add3A_603 = vector.broadcast %add3A_602 : i32 to vector<16xi32>
      %add3A_604 = arith.addi %add3A_603, %iota3A_601 : vector<16xi32>
      %gather3A_605 = tpu.vector_load_idx %arg13[%add3A_604, %broadcast_in_dim3A_576] : memref<80x128xf32, #tpu.memory_space<vmem>>[vector<16xi32>, vector<16xi32>], vector<16xf32>,
      %mul3A_606 = arith.constant 8 : i32
      %mul3A_607 = arith.muli %add3A_142, %mul3A_606 : i32
      %add3A_608 = arith.constant 4 : i32
      %add3A_609 = arith.addi %mul3A_607, %add3A_608 : i32
      %swap3A_610 = arith.index_cast %add3A_609 : i32 to index
      %swap3A_611 = arith.constant 32 : index
      %swap3A_612 = tpu.vector_load %arg7[%swap3A_610, %swap3A_611] {strides = array<i32>} : memref<160x80xf32, #tpu.memory_space<vmem>>, vector<16xf32>,
      tpu.vector_store %arg7[%swap3A_610, %swap3A_611], %gather3A_605 {strides = array<i32>} : memref<160x80xf32, #tpu.memory_space<vmem>>, vector<16xf32>,
      %iota3A_613 = tpu.iota {dimensions = array<i32: 0>} : vector<16xi32>
      %add3A_614 = arith.constant 48 : i32
      %add3A_615 = vector.broadcast %add3A_614 : i32 to vector<16xi32>
      %add3A_616 = arith.addi %add3A_615, %iota3A_613 : vector<16xi32>
      %gather3A_617 = tpu.vector_load_idx %arg13[%add3A_616, %broadcast_in_dim3A_576] : memref<80x128xf32, #tpu.memory_space<vmem>>[vector<16xi32>, vector<16xi32>], vector<16xf32>,
      %mul3A_618 = arith.constant 8 : i32
      %mul3A_619 = arith.muli %add3A_142, %mul3A_618 : i32
      %add3A_620 = arith.constant 4 : i32
      %add3A_621 = arith.addi %mul3A_619, %add3A_620 : i32
      %swap3A_622 = arith.index_cast %add3A_621 : i32 to index
      %swap3A_623 = arith.constant 48 : index
      %swap3A_624 = tpu.vector_load %arg7[%swap3A_622, %swap3A_623] {strides = array<i32>} : memref<160x80xf32, #tpu.memory_space<vmem>>, vector<16xf32>,
      tpu.vector_store %arg7[%swap3A_622, %swap3A_623], %gather3A_617 {strides = array<i32>} : memref<160x80xf32, #tpu.memory_space<vmem>>, vector<16xf32>,
      %iota3A_625 = tpu.iota {dimensions = array<i32: 0>} : vector<16xi32>
      %add3A_626 = arith.constant 64 : i32
      %add3A_627 = vector.broadcast %add3A_626 : i32 to vector<16xi32>
      %add3A_628 = arith.addi %add3A_627, %iota3A_625 : vector<16xi32>
      %gather3A_629 = tpu.vector_load_idx %arg13[%add3A_628, %broadcast_in_dim3A_576] : memref<80x128xf32, #tpu.memory_space<vmem>>[vector<16xi32>, vector<16xi32>], vector<16xf32>,
      %mul3A_630 = arith.constant 8 : i32
      %mul3A_631 = arith.muli %add3A_142, %mul3A_630 : i32
      %add3A_632 = arith.constant 4 : i32
      %add3A_633 = arith.addi %mul3A_631, %add3A_632 : i32
      %swap3A_634 = arith.index_cast %add3A_633 : i32 to index
      %swap3A_635 = arith.constant 64 : index
      %swap3A_636 = tpu.vector_load %arg7[%swap3A_634, %swap3A_635] {strides = array<i32>} : memref<160x80xf32, #tpu.memory_space<vmem>>, vector<16xf32>,
      tpu.vector_store %arg7[%swap3A_634, %swap3A_635], %gather3A_629 {strides = array<i32>} : memref<160x80xf32, #tpu.memory_space<vmem>>, vector<16xf32>,
      %mul3A_637 = arith.constant 8 : i32
      %mul3A_638 = arith.muli %add3A_142, %mul3A_637 : i32
      %add3A_639 = arith.constant 4 : i32
      %add3A_640 = arith.addi %mul3A_638, %add3A_639 : i32
      %mul3A_641 = arith.constant 8 : i32
      %mul3A_642 = arith.muli %add3A_142, %mul3A_641 : i32
      %add3A_643 = arith.addi %mul3A_2, %mul3A_642 : i32
      %add3A_644 = arith.constant 4 : i32
      %add3A_645 = arith.addi %add3A_643, %add3A_644 : i32
      %dma_start3A_646 = arith.constant 0 : i32
      %dma_start3A_647 = tpu.memref_slice %arg7[%add3A_640, %dma_start3A_646] : memref<160x80xf32, #tpu.memory_space<vmem>> -> memref<1x65xf32, #tpu.memory_space<vmem>>
      %dma_start3A_648 = tpu.memref_squeeze %dma_start3A_647 : memref<1x65xf32, #tpu.memory_space<vmem>> -> memref<65xf32, #tpu.memory_space<vmem>>
      %dma_start3A_649 = arith.constant 0 : i32
      %dma_start3A_650 = tpu.memref_slice %arg5[%add3A_645, %dma_start3A_649] : memref<5120x65xf32, #tpu.memory_space<hbm>> -> memref<1x65xf32, #tpu.memory_space<hbm>>
      %dma_start3A_651 = tpu.memref_squeeze %dma_start3A_650 : memref<1x65xf32, #tpu.memory_space<hbm>> -> memref<65xf32, #tpu.memory_space<hbm>>
      %dma_start3A_652 = arith.constant 0 : i32
      %dma_start3A_653 = tpu.memref_slice %arg5[%add3A_645, %dma_start3A_652] : memref<5120x65xf32, #tpu.memory_space<hbm>> -> memref<1x65xf32, #tpu.memory_space<hbm>>
      %dma_start3A_654 = tpu.memref_squeeze %dma_start3A_653 : memref<1x65xf32, #tpu.memory_space<hbm>> -> memref<65xf32, #tpu.memory_space<hbm>>
      %dma_start3A_655 = arith.constant 0 : i32
      %dma_start3A_656 = tpu.memref_slice %arg7[%add3A_640, %dma_start3A_655] : memref<160x80xf32, #tpu.memory_space<vmem>> -> memref<1x65xf32, #tpu.memory_space<vmem>>
      %dma_start3A_657 = tpu.memref_squeeze %dma_start3A_656 : memref<1x65xf32, #tpu.memory_space<vmem>> -> memref<65xf32, #tpu.memory_space<vmem>>
      tpu.enqueue_dma source(%dma_start3A_657 : memref<65xf32, #tpu.memory_space<vmem>>) target(%dma_start3A_654 : memref<65xf32, #tpu.memory_space<hbm>>) target_semaphore(%arg8 : memref<!tpu.dma_semaphore, #tpu.memory_space<semaphore_mem>>)
      %lt3A_658 = arith.constant 19 : i32
      %lt3A_659 = arith.cmpi slt, %add3A_142, %lt3A_658 : i32
      %convert_element_type3A_660 = arith.extui %lt3A_659 : i1 to i32
      %cond3A_661 = arith.constant 0 : i32
      %cond3A_662 = arith.cmpi ne, %convert_element_type3A_660, %cond3A_661 : i32
      scf.if %cond3A_662 {
        %slice3A_972 = vector.extract_strided_slice %get3A_152 {offsets = [4], sizes = [1], strides = [1]} : vector<16xi32> to vector<1xi32>
        %squeeze3A_973 = vector.extract %slice3A_972[0] : i32 from vector<1xi32>
        %and3A_974 = arith.constant -128 : i32
        %and3A_975 = arith.andi %squeeze3A_973, %and3A_974 : i32
        %multiple_of3A_976 = tpu.assume_multiple %and3A_975, 128 : i32
        %dma_start3A_977 = arith.constant 0 : i32
        %dma_start3A_978 = arith.constant 0 : i32
        %dma_start3A_979 = tpu.memref_slice %arg13[%dma_start3A_977, %dma_start3A_978] : memref<80x128xf32, #tpu.memory_space<vmem>> -> memref<65x128xf32, #tpu.memory_space<vmem>>
        %dma_start3A_980 = arith.constant 0 : i32
        %dma_start3A_981 = tpu.memref_slice %arg4[%dma_start3A_980, %multiple_of3A_976] : memref<65x1000000xf32, #tpu.memory_space<hbm>> -> memref<65x128xf32, #tpu.memory_space<hbm>>
        %dma_start3A_982 = arith.constant 0 : i32
        %dma_start3A_983 = arith.constant 0 : i32
        %dma_start3A_984 = tpu.memref_slice %arg13[%dma_start3A_982, %dma_start3A_983] : memref<80x128xf32, #tpu.memory_space<vmem>> -> memref<65x128xf32, #tpu.memory_space<vmem>>
        %dma_start3A_985 = arith.constant 0 : i32
        %dma_start3A_986 = tpu.memref_slice %arg4[%dma_start3A_985, %multiple_of3A_976] : memref<65x1000000xf32, #tpu.memory_space<hbm>> -> memref<65x128xf32, #tpu.memory_space<hbm>>
        tpu.enqueue_dma source(%dma_start3A_986 : memref<65x128xf32, #tpu.memory_space<hbm>>) target(%dma_start3A_984 : memref<65x128xf32, #tpu.memory_space<vmem>>) target_semaphore(%arg21 : memref<!tpu.dma_semaphore, #tpu.memory_space<semaphore_mem>>)
      } else {
      }
      %dma_wait3A_663 = arith.constant 0 : i32
      %dma_wait3A_664 = arith.constant 0 : i32
      %dma_wait3A_665 = tpu.memref_slice %arg14[%dma_wait3A_663, %dma_wait3A_664] : memref<80x128xf32, #tpu.memory_space<vmem>> -> memref<65x128xf32, #tpu.memory_space<vmem>>
      %dma_wait3A_666 = arith.constant 0 : i32
      %dma_wait3A_667 = arith.constant 0 : i32
      %dma_wait3A_668 = tpu.memref_slice %arg4[%dma_wait3A_666, %dma_wait3A_667] : memref<65x1000000xf32, #tpu.memory_space<hbm>> -> memref<65x128xf32, #tpu.memory_space<hbm>>
      %dma_wait3A_669 = arith.constant 0 : i32
      %dma_wait3A_670 = arith.constant 0 : i32
      %dma_wait3A_671 = tpu.memref_slice %arg14[%dma_wait3A_669, %dma_wait3A_670] : memref<80x128xf32, #tpu.memory_space<vmem>> -> memref<65x128xf32, #tpu.memory_space<vmem>>
      %dma_wait3A_672 = arith.constant 0 : i32
      %dma_wait3A_673 = arith.constant 0 : i32
      %dma_wait3A_674 = tpu.memref_slice %arg4[%dma_wait3A_672, %dma_wait3A_673] : memref<65x1000000xf32, #tpu.memory_space<hbm>> -> memref<65x128xf32, #tpu.memory_space<hbm>>
      tpu.wait_dma2 semaphore(%arg22 : memref<!tpu.dma_semaphore, #tpu.memory_space<semaphore_mem>>) src(%dma_wait3A_674 : memref<65x128xf32, #tpu.memory_space<hbm>>) dst(%dma_wait3A_671 : memref<65x128xf32, #tpu.memory_space<vmem>>)
      %slice3A_675 = vector.extract_strided_slice %get3A_146 {offsets = [5], sizes = [1], strides = [1]} : vector<16xi32> to vector<1xi32>
      %squeeze3A_676 = vector.extract %slice3A_675[0] : i32 from vector<1xi32>
      %and3A_677 = arith.constant 127 : i32
      %and3A_678 = arith.andi %squeeze3A_676, %and3A_677 : i32
      %broadcast_in_dim3A_679 = vector.broadcast %and3A_678 : i32 to vector<16xi32>
      %iota3A_680 = tpu.iota {dimensions = array<i32: 0>} : vector<16xi32>
      %add3A_681 = arith.constant 0 : i32
      %add3A_682 = vector.broadcast %add3A_681 : i32 to vector<16xi32>
      %add3A_683 = arith.addi %add3A_682, %iota3A_680 : vector<16xi32>
      %gather3A_684 = tpu.vector_load_idx %arg14[%add3A_683, %broadcast_in_dim3A_679] : memref<80x128xf32, #tpu.memory_space<vmem>>[vector<16xi32>, vector<16xi32>], vector<16xf32>,
      %mul3A_685 = arith.constant 8 : i32
      %mul3A_686 = arith.muli %add3A_142, %mul3A_685 : i32
      %add3A_687 = arith.constant 5 : i32
      %add3A_688 = arith.addi %mul3A_686, %add3A_687 : i32
      %swap3A_689 = arith.index_cast %add3A_688 : i32 to index
      %swap3A_690 = arith.constant 0 : index
      %swap3A_691 = tpu.vector_load %arg7[%swap3A_689, %swap3A_690] {strides = array<i32>} : memref<160x80xf32, #tpu.memory_space<vmem>>, vector<16xf32>,
      tpu.vector_store %arg7[%swap3A_689, %swap3A_690], %gather3A_684 {strides = array<i32>} : memref<160x80xf32, #tpu.memory_space<vmem>>, vector<16xf32>,
      %iota3A_692 = tpu.iota {dimensions = array<i32: 0>} : vector<16xi32>
      %add3A_693 = arith.constant 16 : i32
      %add3A_694 = vector.broadcast %add3A_693 : i32 to vector<16xi32>
      %add3A_695 = arith.addi %add3A_694, %iota3A_692 : vector<16xi32>
      %gather3A_696 = tpu.vector_load_idx %arg14[%add3A_695, %broadcast_in_dim3A_679] : memref<80x128xf32, #tpu.memory_space<vmem>>[vector<16xi32>, vector<16xi32>], vector<16xf32>,
      %mul3A_697 = arith.constant 8 : i32
      %mul3A_698 = arith.muli %add3A_142, %mul3A_697 : i32
      %add3A_699 = arith.constant 5 : i32
      %add3A_700 = arith.addi %mul3A_698, %add3A_699 : i32
      %swap3A_701 = arith.index_cast %add3A_700 : i32 to index
      %swap3A_702 = arith.constant 16 : index
      %swap3A_703 = tpu.vector_load %arg7[%swap3A_701, %swap3A_702] {strides = array<i32>} : memref<160x80xf32, #tpu.memory_space<vmem>>, vector<16xf32>,
      tpu.vector_store %arg7[%swap3A_701, %swap3A_702], %gather3A_696 {strides = array<i32>} : memref<160x80xf32, #tpu.memory_space<vmem>>, vector<16xf32>,
      %iota3A_704 = tpu.iota {dimensions = array<i32: 0>} : vector<16xi32>
      %add3A_705 = arith.constant 32 : i32
      %add3A_706 = vector.broadcast %add3A_705 : i32 to vector<16xi32>
      %add3A_707 = arith.addi %add3A_706, %iota3A_704 : vector<16xi32>
      %gather3A_708 = tpu.vector_load_idx %arg14[%add3A_707, %broadcast_in_dim3A_679] : memref<80x128xf32, #tpu.memory_space<vmem>>[vector<16xi32>, vector<16xi32>], vector<16xf32>,
      %mul3A_709 = arith.constant 8 : i32
      %mul3A_710 = arith.muli %add3A_142, %mul3A_709 : i32
      %add3A_711 = arith.constant 5 : i32
      %add3A_712 = arith.addi %mul3A_710, %add3A_711 : i32
      %swap3A_713 = arith.index_cast %add3A_712 : i32 to index
      %swap3A_714 = arith.constant 32 : index
      %swap3A_715 = tpu.vector_load %arg7[%swap3A_713, %swap3A_714] {strides = array<i32>} : memref<160x80xf32, #tpu.memory_space<vmem>>, vector<16xf32>,
      tpu.vector_store %arg7[%swap3A_713, %swap3A_714], %gather3A_708 {strides = array<i32>} : memref<160x80xf32, #tpu.memory_space<vmem>>, vector<16xf32>,
      %iota3A_716 = tpu.iota {dimensions = array<i32: 0>} : vector<16xi32>
      %add3A_717 = arith.constant 48 : i32
      %add3A_718 = vector.broadcast %add3A_717 : i32 to vector<16xi32>
      %add3A_719 = arith.addi %add3A_718, %iota3A_716 : vector<16xi32>
      %gather3A_720 = tpu.vector_load_idx %arg14[%add3A_719, %broadcast_in_dim3A_679] : memref<80x128xf32, #tpu.memory_space<vmem>>[vector<16xi32>, vector<16xi32>], vector<16xf32>,
      %mul3A_721 = arith.constant 8 : i32
      %mul3A_722 = arith.muli %add3A_142, %mul3A_721 : i32
      %add3A_723 = arith.constant 5 : i32
      %add3A_724 = arith.addi %mul3A_722, %add3A_723 : i32
      %swap3A_725 = arith.index_cast %add3A_724 : i32 to index
      %swap3A_726 = arith.constant 48 : index
      %swap3A_727 = tpu.vector_load %arg7[%swap3A_725, %swap3A_726] {strides = array<i32>} : memref<160x80xf32, #tpu.memory_space<vmem>>, vector<16xf32>,
      tpu.vector_store %arg7[%swap3A_725, %swap3A_726], %gather3A_720 {strides = array<i32>} : memref<160x80xf32, #tpu.memory_space<vmem>>, vector<16xf32>,
      %iota3A_728 = tpu.iota {dimensions = array<i32: 0>} : vector<16xi32>
      %add3A_729 = arith.constant 64 : i32
      %add3A_730 = vector.broadcast %add3A_729 : i32 to vector<16xi32>
      %add3A_731 = arith.addi %add3A_730, %iota3A_728 : vector<16xi32>
      %gather3A_732 = tpu.vector_load_idx %arg14[%add3A_731, %broadcast_in_dim3A_679] : memref<80x128xf32, #tpu.memory_space<vmem>>[vector<16xi32>, vector<16xi32>], vector<16xf32>,
      %mul3A_733 = arith.constant 8 : i32
      %mul3A_734 = arith.muli %add3A_142, %mul3A_733 : i32
      %add3A_735 = arith.constant 5 : i32
      %add3A_736 = arith.addi %mul3A_734, %add3A_735 : i32
      %swap3A_737 = arith.index_cast %add3A_736 : i32 to index
      %swap3A_738 = arith.constant 64 : index
      %swap3A_739 = tpu.vector_load %arg7[%swap3A_737, %swap3A_738] {strides = array<i32>} : memref<160x80xf32, #tpu.memory_space<vmem>>, vector<16xf32>,
      tpu.vector_store %arg7[%swap3A_737, %swap3A_738], %gather3A_732 {strides = array<i32>} : memref<160x80xf32, #tpu.memory_space<vmem>>, vector<16xf32>,
      %mul3A_740 = arith.constant 8 : i32
      %mul3A_741 = arith.muli %add3A_142, %mul3A_740 : i32
      %add3A_742 = arith.constant 5 : i32
      %add3A_743 = arith.addi %mul3A_741, %add3A_742 : i32
      %mul3A_744 = arith.constant 8 : i32
      %mul3A_745 = arith.muli %add3A_142, %mul3A_744 : i32
      %add3A_746 = arith.addi %mul3A_2, %mul3A_745 : i32
      %add3A_747 = arith.constant 5 : i32
      %add3A_748 = arith.addi %add3A_746, %add3A_747 : i32
      %dma_start3A_749 = arith.constant 0 : i32
      %dma_start3A_750 = tpu.memref_slice %arg7[%add3A_743, %dma_start3A_749] : memref<160x80xf32, #tpu.memory_space<vmem>> -> memref<1x65xf32, #tpu.memory_space<vmem>>
      %dma_start3A_751 = tpu.memref_squeeze %dma_start3A_750 : memref<1x65xf32, #tpu.memory_space<vmem>> -> memref<65xf32, #tpu.memory_space<vmem>>
      %dma_start3A_752 = arith.constant 0 : i32
      %dma_start3A_753 = tpu.memref_slice %arg5[%add3A_748, %dma_start3A_752] : memref<5120x65xf32, #tpu.memory_space<hbm>> -> memref<1x65xf32, #tpu.memory_space<hbm>>
      %dma_start3A_754 = tpu.memref_squeeze %dma_start3A_753 : memref<1x65xf32, #tpu.memory_space<hbm>> -> memref<65xf32, #tpu.memory_space<hbm>>
      %dma_start3A_755 = arith.constant 0 : i32
      %dma_start3A_756 = tpu.memref_slice %arg5[%add3A_748, %dma_start3A_755] : memref<5120x65xf32, #tpu.memory_space<hbm>> -> memref<1x65xf32, #tpu.memory_space<hbm>>
      %dma_start3A_757 = tpu.memref_squeeze %dma_start3A_756 : memref<1x65xf32, #tpu.memory_space<hbm>> -> memref<65xf32, #tpu.memory_space<hbm>>
      %dma_start3A_758 = arith.constant 0 : i32
      %dma_start3A_759 = tpu.memref_slice %arg7[%add3A_743, %dma_start3A_758] : memref<160x80xf32, #tpu.memory_space<vmem>> -> memref<1x65xf32, #tpu.memory_space<vmem>>
      %dma_start3A_760 = tpu.memref_squeeze %dma_start3A_759 : memref<1x65xf32, #tpu.memory_space<vmem>> -> memref<65xf32, #tpu.memory_space<vmem>>
      tpu.enqueue_dma source(%dma_start3A_760 : memref<65xf32, #tpu.memory_space<vmem>>) target(%dma_start3A_757 : memref<65xf32, #tpu.memory_space<hbm>>) target_semaphore(%arg8 : memref<!tpu.dma_semaphore, #tpu.memory_space<semaphore_mem>>)
      %lt3A_761 = arith.constant 19 : i32
      %lt3A_762 = arith.cmpi slt, %add3A_142, %lt3A_761 : i32
      %convert_element_type3A_763 = arith.extui %lt3A_762 : i1 to i32
      %cond3A_764 = arith.constant 0 : i32
      %cond3A_765 = arith.cmpi ne, %convert_element_type3A_763, %cond3A_764 : i32
      scf.if %cond3A_765 {
        %slice3A_972 = vector.extract_strided_slice %get3A_152 {offsets = [5], sizes = [1], strides = [1]} : vector<16xi32> to vector<1xi32>
        %squeeze3A_973 = vector.extract %slice3A_972[0] : i32 from vector<1xi32>
        %and3A_974 = arith.constant -128 : i32
        %and3A_975 = arith.andi %squeeze3A_973, %and3A_974 : i32
        %multiple_of3A_976 = tpu.assume_multiple %and3A_975, 128 : i32
        %dma_start3A_977 = arith.constant 0 : i32
        %dma_start3A_978 = arith.constant 0 : i32
        %dma_start3A_979 = tpu.memref_slice %arg14[%dma_start3A_977, %dma_start3A_978] : memref<80x128xf32, #tpu.memory_space<vmem>> -> memref<65x128xf32, #tpu.memory_space<vmem>>
        %dma_start3A_980 = arith.constant 0 : i32
        %dma_start3A_981 = tpu.memref_slice %arg4[%dma_start3A_980, %multiple_of3A_976] : memref<65x1000000xf32, #tpu.memory_space<hbm>> -> memref<65x128xf32, #tpu.memory_space<hbm>>
        %dma_start3A_982 = arith.constant 0 : i32
        %dma_start3A_983 = arith.constant 0 : i32
        %dma_start3A_984 = tpu.memref_slice %arg14[%dma_start3A_982, %dma_start3A_983] : memref<80x128xf32, #tpu.memory_space<vmem>> -> memref<65x128xf32, #tpu.memory_space<vmem>>
        %dma_start3A_985 = arith.constant 0 : i32
        %dma_start3A_986 = tpu.memref_slice %arg4[%dma_start3A_985, %multiple_of3A_976] : memref<65x1000000xf32, #tpu.memory_space<hbm>> -> memref<65x128xf32, #tpu.memory_space<hbm>>
        tpu.enqueue_dma source(%dma_start3A_986 : memref<65x128xf32, #tpu.memory_space<hbm>>) target(%dma_start3A_984 : memref<65x128xf32, #tpu.memory_space<vmem>>) target_semaphore(%arg22 : memref<!tpu.dma_semaphore, #tpu.memory_space<semaphore_mem>>)
      } else {
      }
      %dma_wait3A_766 = arith.constant 0 : i32
      %dma_wait3A_767 = arith.constant 0 : i32
      %dma_wait3A_768 = tpu.memref_slice %arg15[%dma_wait3A_766, %dma_wait3A_767] : memref<80x128xf32, #tpu.memory_space<vmem>> -> memref<65x128xf32, #tpu.memory_space<vmem>>
      %dma_wait3A_769 = arith.constant 0 : i32
      %dma_wait3A_770 = arith.constant 0 : i32
      %dma_wait3A_771 = tpu.memref_slice %arg4[%dma_wait3A_769, %dma_wait3A_770] : memref<65x1000000xf32, #tpu.memory_space<hbm>> -> memref<65x128xf32, #tpu.memory_space<hbm>>
      %dma_wait3A_772 = arith.constant 0 : i32
      %dma_wait3A_773 = arith.constant 0 : i32
      %dma_wait3A_774 = tpu.memref_slice %arg15[%dma_wait3A_772, %dma_wait3A_773] : memref<80x128xf32, #tpu.memory_space<vmem>> -> memref<65x128xf32, #tpu.memory_space<vmem>>
      %dma_wait3A_775 = arith.constant 0 : i32
      %dma_wait3A_776 = arith.constant 0 : i32
      %dma_wait3A_777 = tpu.memref_slice %arg4[%dma_wait3A_775, %dma_wait3A_776] : memref<65x1000000xf32, #tpu.memory_space<hbm>> -> memref<65x128xf32, #tpu.memory_space<hbm>>
      tpu.wait_dma2 semaphore(%arg23 : memref<!tpu.dma_semaphore, #tpu.memory_space<semaphore_mem>>) src(%dma_wait3A_777 : memref<65x128xf32, #tpu.memory_space<hbm>>) dst(%dma_wait3A_774 : memref<65x128xf32, #tpu.memory_space<vmem>>)
      %slice3A_778 = vector.extract_strided_slice %get3A_146 {offsets = [6], sizes = [1], strides = [1]} : vector<16xi32> to vector<1xi32>
      %squeeze3A_779 = vector.extract %slice3A_778[0] : i32 from vector<1xi32>
      %and3A_780 = arith.constant 127 : i32
      %and3A_781 = arith.andi %squeeze3A_779, %and3A_780 : i32
      %broadcast_in_dim3A_782 = vector.broadcast %and3A_781 : i32 to vector<16xi32>
      %iota3A_783 = tpu.iota {dimensions = array<i32: 0>} : vector<16xi32>
      %add3A_784 = arith.constant 0 : i32
      %add3A_785 = vector.broadcast %add3A_784 : i32 to vector<16xi32>
      %add3A_786 = arith.addi %add3A_785, %iota3A_783 : vector<16xi32>
      %gather3A_787 = tpu.vector_load_idx %arg15[%add3A_786, %broadcast_in_dim3A_782] : memref<80x128xf32, #tpu.memory_space<vmem>>[vector<16xi32>, vector<16xi32>], vector<16xf32>,
      %mul3A_788 = arith.constant 8 : i32
      %mul3A_789 = arith.muli %add3A_142, %mul3A_788 : i32
      %add3A_790 = arith.constant 6 : i32
      %add3A_791 = arith.addi %mul3A_789, %add3A_790 : i32
      %swap3A_792 = arith.index_cast %add3A_791 : i32 to index
      %swap3A_793 = arith.constant 0 : index
      %swap3A_794 = tpu.vector_load %arg7[%swap3A_792, %swap3A_793] {strides = array<i32>} : memref<160x80xf32, #tpu.memory_space<vmem>>, vector<16xf32>,
      tpu.vector_store %arg7[%swap3A_792, %swap3A_793], %gather3A_787 {strides = array<i32>} : memref<160x80xf32, #tpu.memory_space<vmem>>, vector<16xf32>,
      %iota3A_795 = tpu.iota {dimensions = array<i32: 0>} : vector<16xi32>
      %add3A_796 = arith.constant 16 : i32
      %add3A_797 = vector.broadcast %add3A_796 : i32 to vector<16xi32>
      %add3A_798 = arith.addi %add3A_797, %iota3A_795 : vector<16xi32>
      %gather3A_799 = tpu.vector_load_idx %arg15[%add3A_798, %broadcast_in_dim3A_782] : memref<80x128xf32, #tpu.memory_space<vmem>>[vector<16xi32>, vector<16xi32>], vector<16xf32>,
      %mul3A_800 = arith.constant 8 : i32
      %mul3A_801 = arith.muli %add3A_142, %mul3A_800 : i32
      %add3A_802 = arith.constant 6 : i32
      %add3A_803 = arith.addi %mul3A_801, %add3A_802 : i32
      %swap3A_804 = arith.index_cast %add3A_803 : i32 to index
      %swap3A_805 = arith.constant 16 : index
      %swap3A_806 = tpu.vector_load %arg7[%swap3A_804, %swap3A_805] {strides = array<i32>} : memref<160x80xf32, #tpu.memory_space<vmem>>, vector<16xf32>,
      tpu.vector_store %arg7[%swap3A_804, %swap3A_805], %gather3A_799 {strides = array<i32>} : memref<160x80xf32, #tpu.memory_space<vmem>>, vector<16xf32>,
      %iota3A_807 = tpu.iota {dimensions = array<i32: 0>} : vector<16xi32>
      %add3A_808 = arith.constant 32 : i32
      %add3A_809 = vector.broadcast %add3A_808 : i32 to vector<16xi32>
      %add3A_810 = arith.addi %add3A_809, %iota3A_807 : vector<16xi32>
      %gather3A_811 = tpu.vector_load_idx %arg15[%add3A_810, %broadcast_in_dim3A_782] : memref<80x128xf32, #tpu.memory_space<vmem>>[vector<16xi32>, vector<16xi32>], vector<16xf32>,
      %mul3A_812 = arith.constant 8 : i32
      %mul3A_813 = arith.muli %add3A_142, %mul3A_812 : i32
      %add3A_814 = arith.constant 6 : i32
      %add3A_815 = arith.addi %mul3A_813, %add3A_814 : i32
      %swap3A_816 = arith.index_cast %add3A_815 : i32 to index
      %swap3A_817 = arith.constant 32 : index
      %swap3A_818 = tpu.vector_load %arg7[%swap3A_816, %swap3A_817] {strides = array<i32>} : memref<160x80xf32, #tpu.memory_space<vmem>>, vector<16xf32>,
      tpu.vector_store %arg7[%swap3A_816, %swap3A_817], %gather3A_811 {strides = array<i32>} : memref<160x80xf32, #tpu.memory_space<vmem>>, vector<16xf32>,
      %iota3A_819 = tpu.iota {dimensions = array<i32: 0>} : vector<16xi32>
      %add3A_820 = arith.constant 48 : i32
      %add3A_821 = vector.broadcast %add3A_820 : i32 to vector<16xi32>
      %add3A_822 = arith.addi %add3A_821, %iota3A_819 : vector<16xi32>
      %gather3A_823 = tpu.vector_load_idx %arg15[%add3A_822, %broadcast_in_dim3A_782] : memref<80x128xf32, #tpu.memory_space<vmem>>[vector<16xi32>, vector<16xi32>], vector<16xf32>,
      %mul3A_824 = arith.constant 8 : i32
      %mul3A_825 = arith.muli %add3A_142, %mul3A_824 : i32
      %add3A_826 = arith.constant 6 : i32
      %add3A_827 = arith.addi %mul3A_825, %add3A_826 : i32
      %swap3A_828 = arith.index_cast %add3A_827 : i32 to index
      %swap3A_829 = arith.constant 48 : index
      %swap3A_830 = tpu.vector_load %arg7[%swap3A_828, %swap3A_829] {strides = array<i32>} : memref<160x80xf32, #tpu.memory_space<vmem>>, vector<16xf32>,
      tpu.vector_store %arg7[%swap3A_828, %swap3A_829], %gather3A_823 {strides = array<i32>} : memref<160x80xf32, #tpu.memory_space<vmem>>, vector<16xf32>,
      %iota3A_831 = tpu.iota {dimensions = array<i32: 0>} : vector<16xi32>
      %add3A_832 = arith.constant 64 : i32
      %add3A_833 = vector.broadcast %add3A_832 : i32 to vector<16xi32>
      %add3A_834 = arith.addi %add3A_833, %iota3A_831 : vector<16xi32>
      %gather3A_835 = tpu.vector_load_idx %arg15[%add3A_834, %broadcast_in_dim3A_782] : memref<80x128xf32, #tpu.memory_space<vmem>>[vector<16xi32>, vector<16xi32>], vector<16xf32>,
      %mul3A_836 = arith.constant 8 : i32
      %mul3A_837 = arith.muli %add3A_142, %mul3A_836 : i32
      %add3A_838 = arith.constant 6 : i32
      %add3A_839 = arith.addi %mul3A_837, %add3A_838 : i32
      %swap3A_840 = arith.index_cast %add3A_839 : i32 to index
      %swap3A_841 = arith.constant 64 : index
      %swap3A_842 = tpu.vector_load %arg7[%swap3A_840, %swap3A_841] {strides = array<i32>} : memref<160x80xf32, #tpu.memory_space<vmem>>, vector<16xf32>,
      tpu.vector_store %arg7[%swap3A_840, %swap3A_841], %gather3A_835 {strides = array<i32>} : memref<160x80xf32, #tpu.memory_space<vmem>>, vector<16xf32>,
      %mul3A_843 = arith.constant 8 : i32
      %mul3A_844 = arith.muli %add3A_142, %mul3A_843 : i32
      %add3A_845 = arith.constant 6 : i32
      %add3A_846 = arith.addi %mul3A_844, %add3A_845 : i32
      %mul3A_847 = arith.constant 8 : i32
      %mul3A_848 = arith.muli %add3A_142, %mul3A_847 : i32
      %add3A_849 = arith.addi %mul3A_2, %mul3A_848 : i32
      %add3A_850 = arith.constant 6 : i32
      %add3A_851 = arith.addi %add3A_849, %add3A_850 : i32
      %dma_start3A_852 = arith.constant 0 : i32
      %dma_start3A_853 = tpu.memref_slice %arg7[%add3A_846, %dma_start3A_852] : memref<160x80xf32, #tpu.memory_space<vmem>> -> memref<1x65xf32, #tpu.memory_space<vmem>>
      %dma_start3A_854 = tpu.memref_squeeze %dma_start3A_853 : memref<1x65xf32, #tpu.memory_space<vmem>> -> memref<65xf32, #tpu.memory_space<vmem>>
      %dma_start3A_855 = arith.constant 0 : i32
      %dma_start3A_856 = tpu.memref_slice %arg5[%add3A_851, %dma_start3A_855] : memref<5120x65xf32, #tpu.memory_space<hbm>> -> memref<1x65xf32, #tpu.memory_space<hbm>>
      %dma_start3A_857 = tpu.memref_squeeze %dma_start3A_856 : memref<1x65xf32, #tpu.memory_space<hbm>> -> memref<65xf32, #tpu.memory_space<hbm>>
      %dma_start3A_858 = arith.constant 0 : i32
      %dma_start3A_859 = tpu.memref_slice %arg5[%add3A_851, %dma_start3A_858] : memref<5120x65xf32, #tpu.memory_space<hbm>> -> memref<1x65xf32, #tpu.memory_space<hbm>>
      %dma_start3A_860 = tpu.memref_squeeze %dma_start3A_859 : memref<1x65xf32, #tpu.memory_space<hbm>> -> memref<65xf32, #tpu.memory_space<hbm>>
      %dma_start3A_861 = arith.constant 0 : i32
      %dma_start3A_862 = tpu.memref_slice %arg7[%add3A_846, %dma_start3A_861] : memref<160x80xf32, #tpu.memory_space<vmem>> -> memref<1x65xf32, #tpu.memory_space<vmem>>
      %dma_start3A_863 = tpu.memref_squeeze %dma_start3A_862 : memref<1x65xf32, #tpu.memory_space<vmem>> -> memref<65xf32, #tpu.memory_space<vmem>>
      tpu.enqueue_dma source(%dma_start3A_863 : memref<65xf32, #tpu.memory_space<vmem>>) target(%dma_start3A_860 : memref<65xf32, #tpu.memory_space<hbm>>) target_semaphore(%arg8 : memref<!tpu.dma_semaphore, #tpu.memory_space<semaphore_mem>>)
      %lt3A_864 = arith.constant 19 : i32
      %lt3A_865 = arith.cmpi slt, %add3A_142, %lt3A_864 : i32
      %convert_element_type3A_866 = arith.extui %lt3A_865 : i1 to i32
      %cond3A_867 = arith.constant 0 : i32
      %cond3A_868 = arith.cmpi ne, %convert_element_type3A_866, %cond3A_867 : i32
      scf.if %cond3A_868 {
        %slice3A_972 = vector.extract_strided_slice %get3A_152 {offsets = [6], sizes = [1], strides = [1]} : vector<16xi32> to vector<1xi32>
        %squeeze3A_973 = vector.extract %slice3A_972[0] : i32 from vector<1xi32>
        %and3A_974 = arith.constant -128 : i32
        %and3A_975 = arith.andi %squeeze3A_973, %and3A_974 : i32
        %multiple_of3A_976 = tpu.assume_multiple %and3A_975, 128 : i32
        %dma_start3A_977 = arith.constant 0 : i32
        %dma_start3A_978 = arith.constant 0 : i32
        %dma_start3A_979 = tpu.memref_slice %arg15[%dma_start3A_977, %dma_start3A_978] : memref<80x128xf32, #tpu.memory_space<vmem>> -> memref<65x128xf32, #tpu.memory_space<vmem>>
        %dma_start3A_980 = arith.constant 0 : i32
        %dma_start3A_981 = tpu.memref_slice %arg4[%dma_start3A_980, %multiple_of3A_976] : memref<65x1000000xf32, #tpu.memory_space<hbm>> -> memref<65x128xf32, #tpu.memory_space<hbm>>
        %dma_start3A_982 = arith.constant 0 : i32
        %dma_start3A_983 = arith.constant 0 : i32
        %dma_start3A_984 = tpu.memref_slice %arg15[%dma_start3A_982, %dma_start3A_983] : memref<80x128xf32, #tpu.memory_space<vmem>> -> memref<65x128xf32, #tpu.memory_space<vmem>>
        %dma_start3A_985 = arith.constant 0 : i32
        %dma_start3A_986 = tpu.memref_slice %arg4[%dma_start3A_985, %multiple_of3A_976] : memref<65x1000000xf32, #tpu.memory_space<hbm>> -> memref<65x128xf32, #tpu.memory_space<hbm>>
        tpu.enqueue_dma source(%dma_start3A_986 : memref<65x128xf32, #tpu.memory_space<hbm>>) target(%dma_start3A_984 : memref<65x128xf32, #tpu.memory_space<vmem>>) target_semaphore(%arg23 : memref<!tpu.dma_semaphore, #tpu.memory_space<semaphore_mem>>)
      } else {
      }
      %dma_wait3A_869 = arith.constant 0 : i32
      %dma_wait3A_870 = arith.constant 0 : i32
      %dma_wait3A_871 = tpu.memref_slice %arg16[%dma_wait3A_869, %dma_wait3A_870] : memref<80x128xf32, #tpu.memory_space<vmem>> -> memref<65x128xf32, #tpu.memory_space<vmem>>
      %dma_wait3A_872 = arith.constant 0 : i32
      %dma_wait3A_873 = arith.constant 0 : i32
      %dma_wait3A_874 = tpu.memref_slice %arg4[%dma_wait3A_872, %dma_wait3A_873] : memref<65x1000000xf32, #tpu.memory_space<hbm>> -> memref<65x128xf32, #tpu.memory_space<hbm>>
      %dma_wait3A_875 = arith.constant 0 : i32
      %dma_wait3A_876 = arith.constant 0 : i32
      %dma_wait3A_877 = tpu.memref_slice %arg16[%dma_wait3A_875, %dma_wait3A_876] : memref<80x128xf32, #tpu.memory_space<vmem>> -> memref<65x128xf32, #tpu.memory_space<vmem>>
      %dma_wait3A_878 = arith.constant 0 : i32
      %dma_wait3A_879 = arith.constant 0 : i32
      %dma_wait3A_880 = tpu.memref_slice %arg4[%dma_wait3A_878, %dma_wait3A_879] : memref<65x1000000xf32, #tpu.memory_space<hbm>> -> memref<65x128xf32, #tpu.memory_space<hbm>>
      tpu.wait_dma2 semaphore(%arg24 : memref<!tpu.dma_semaphore, #tpu.memory_space<semaphore_mem>>) src(%dma_wait3A_880 : memref<65x128xf32, #tpu.memory_space<hbm>>) dst(%dma_wait3A_877 : memref<65x128xf32, #tpu.memory_space<vmem>>)
      %slice3A_881 = vector.extract_strided_slice %get3A_146 {offsets = [7], sizes = [1], strides = [1]} : vector<16xi32> to vector<1xi32>
      %squeeze3A_882 = vector.extract %slice3A_881[0] : i32 from vector<1xi32>
      %and3A_883 = arith.constant 127 : i32
      %and3A_884 = arith.andi %squeeze3A_882, %and3A_883 : i32
      %broadcast_in_dim3A_885 = vector.broadcast %and3A_884 : i32 to vector<16xi32>
      %iota3A_886 = tpu.iota {dimensions = array<i32: 0>} : vector<16xi32>
      %add3A_887 = arith.constant 0 : i32
      %add3A_888 = vector.broadcast %add3A_887 : i32 to vector<16xi32>
      %add3A_889 = arith.addi %add3A_888, %iota3A_886 : vector<16xi32>
      %gather3A_890 = tpu.vector_load_idx %arg16[%add3A_889, %broadcast_in_dim3A_885] : memref<80x128xf32, #tpu.memory_space<vmem>>[vector<16xi32>, vector<16xi32>], vector<16xf32>,
      %mul3A_891 = arith.constant 8 : i32
      %mul3A_892 = arith.muli %add3A_142, %mul3A_891 : i32
      %add3A_893 = arith.constant 7 : i32
      %add3A_894 = arith.addi %mul3A_892, %add3A_893 : i32
      %swap3A_895 = arith.index_cast %add3A_894 : i32 to index
      %swap3A_896 = arith.constant 0 : index
      %swap3A_897 = tpu.vector_load %arg7[%swap3A_895, %swap3A_896] {strides = array<i32>} : memref<160x80xf32, #tpu.memory_space<vmem>>, vector<16xf32>,
      tpu.vector_store %arg7[%swap3A_895, %swap3A_896], %gather3A_890 {strides = array<i32>} : memref<160x80xf32, #tpu.memory_space<vmem>>, vector<16xf32>,
      %iota3A_898 = tpu.iota {dimensions = array<i32: 0>} : vector<16xi32>
      %add3A_899 = arith.constant 16 : i32
      %add3A_900 = vector.broadcast %add3A_899 : i32 to vector<16xi32>
      %add3A_901 = arith.addi %add3A_900, %iota3A_898 : vector<16xi32>
      %gather3A_902 = tpu.vector_load_idx %arg16[%add3A_901, %broadcast_in_dim3A_885] : memref<80x128xf32, #tpu.memory_space<vmem>>[vector<16xi32>, vector<16xi32>], vector<16xf32>,
      %mul3A_903 = arith.constant 8 : i32
      %mul3A_904 = arith.muli %add3A_142, %mul3A_903 : i32
      %add3A_905 = arith.constant 7 : i32
      %add3A_906 = arith.addi %mul3A_904, %add3A_905 : i32
      %swap3A_907 = arith.index_cast %add3A_906 : i32 to index
      %swap3A_908 = arith.constant 16 : index
      %swap3A_909 = tpu.vector_load %arg7[%swap3A_907, %swap3A_908] {strides = array<i32>} : memref<160x80xf32, #tpu.memory_space<vmem>>, vector<16xf32>,
      tpu.vector_store %arg7[%swap3A_907, %swap3A_908], %gather3A_902 {strides = array<i32>} : memref<160x80xf32, #tpu.memory_space<vmem>>, vector<16xf32>,
      %iota3A_910 = tpu.iota {dimensions = array<i32: 0>} : vector<16xi32>
      %add3A_911 = arith.constant 32 : i32
      %add3A_912 = vector.broadcast %add3A_911 : i32 to vector<16xi32>
      %add3A_913 = arith.addi %add3A_912, %iota3A_910 : vector<16xi32>
      %gather3A_914 = tpu.vector_load_idx %arg16[%add3A_913, %broadcast_in_dim3A_885] : memref<80x128xf32, #tpu.memory_space<vmem>>[vector<16xi32>, vector<16xi32>], vector<16xf32>,
      %mul3A_915 = arith.constant 8 : i32
      %mul3A_916 = arith.muli %add3A_142, %mul3A_915 : i32
      %add3A_917 = arith.constant 7 : i32
      %add3A_918 = arith.addi %mul3A_916, %add3A_917 : i32
      %swap3A_919 = arith.index_cast %add3A_918 : i32 to index
      %swap3A_920 = arith.constant 32 : index
      %swap3A_921 = tpu.vector_load %arg7[%swap3A_919, %swap3A_920] {strides = array<i32>} : memref<160x80xf32, #tpu.memory_space<vmem>>, vector<16xf32>,
      tpu.vector_store %arg7[%swap3A_919, %swap3A_920], %gather3A_914 {strides = array<i32>} : memref<160x80xf32, #tpu.memory_space<vmem>>, vector<16xf32>,
      %iota3A_922 = tpu.iota {dimensions = array<i32: 0>} : vector<16xi32>
      %add3A_923 = arith.constant 48 : i32
      %add3A_924 = vector.broadcast %add3A_923 : i32 to vector<16xi32>
      %add3A_925 = arith.addi %add3A_924, %iota3A_922 : vector<16xi32>
      %gather3A_926 = tpu.vector_load_idx %arg16[%add3A_925, %broadcast_in_dim3A_885] : memref<80x128xf32, #tpu.memory_space<vmem>>[vector<16xi32>, vector<16xi32>], vector<16xf32>,
      %mul3A_927 = arith.constant 8 : i32
      %mul3A_928 = arith.muli %add3A_142, %mul3A_927 : i32
      %add3A_929 = arith.constant 7 : i32
      %add3A_930 = arith.addi %mul3A_928, %add3A_929 : i32
      %swap3A_931 = arith.index_cast %add3A_930 : i32 to index
      %swap3A_932 = arith.constant 48 : index
      %swap3A_933 = tpu.vector_load %arg7[%swap3A_931, %swap3A_932] {strides = array<i32>} : memref<160x80xf32, #tpu.memory_space<vmem>>, vector<16xf32>,
      tpu.vector_store %arg7[%swap3A_931, %swap3A_932], %gather3A_926 {strides = array<i32>} : memref<160x80xf32, #tpu.memory_space<vmem>>, vector<16xf32>,
      %iota3A_934 = tpu.iota {dimensions = array<i32: 0>} : vector<16xi32>
      %add3A_935 = arith.constant 64 : i32
      %add3A_936 = vector.broadcast %add3A_935 : i32 to vector<16xi32>
      %add3A_937 = arith.addi %add3A_936, %iota3A_934 : vector<16xi32>
      %gather3A_938 = tpu.vector_load_idx %arg16[%add3A_937, %broadcast_in_dim3A_885] : memref<80x128xf32, #tpu.memory_space<vmem>>[vector<16xi32>, vector<16xi32>], vector<16xf32>,
      %mul3A_939 = arith.constant 8 : i32
      %mul3A_940 = arith.muli %add3A_142, %mul3A_939 : i32
      %add3A_941 = arith.constant 7 : i32
      %add3A_942 = arith.addi %mul3A_940, %add3A_941 : i32
      %swap3A_943 = arith.index_cast %add3A_942 : i32 to index
      %swap3A_944 = arith.constant 64 : index
      %swap3A_945 = tpu.vector_load %arg7[%swap3A_943, %swap3A_944] {strides = array<i32>} : memref<160x80xf32, #tpu.memory_space<vmem>>, vector<16xf32>,
      tpu.vector_store %arg7[%swap3A_943, %swap3A_944], %gather3A_938 {strides = array<i32>} : memref<160x80xf32, #tpu.memory_space<vmem>>, vector<16xf32>,
      %mul3A_946 = arith.constant 8 : i32
      %mul3A_947 = arith.muli %add3A_142, %mul3A_946 : i32
      %add3A_948 = arith.constant 7 : i32
      %add3A_949 = arith.addi %mul3A_947, %add3A_948 : i32
      %mul3A_950 = arith.constant 8 : i32
      %mul3A_951 = arith.muli %add3A_142, %mul3A_950 : i32
      %add3A_952 = arith.addi %mul3A_2, %mul3A_951 : i32
      %add3A_953 = arith.constant 7 : i32
      %add3A_954 = arith.addi %add3A_952, %add3A_953 : i32
      %dma_start3A_955 = arith.constant 0 : i32
      %dma_start3A_956 = tpu.memref_slice %arg7[%add3A_949, %dma_start3A_955] : memref<160x80xf32, #tpu.memory_space<vmem>> -> memref<1x65xf32, #tpu.memory_space<vmem>>
      %dma_start3A_957 = tpu.memref_squeeze %dma_start3A_956 : memref<1x65xf32, #tpu.memory_space<vmem>> -> memref<65xf32, #tpu.memory_space<vmem>>
      %dma_start3A_958 = arith.constant 0 : i32
      %dma_start3A_959 = tpu.memref_slice %arg5[%add3A_954, %dma_start3A_958] : memref<5120x65xf32, #tpu.memory_space<hbm>> -> memref<1x65xf32, #tpu.memory_space<hbm>>
      %dma_start3A_960 = tpu.memref_squeeze %dma_start3A_959 : memref<1x65xf32, #tpu.memory_space<hbm>> -> memref<65xf32, #tpu.memory_space<hbm>>
      %dma_start3A_961 = arith.constant 0 : i32
      %dma_start3A_962 = tpu.memref_slice %arg5[%add3A_954, %dma_start3A_961] : memref<5120x65xf32, #tpu.memory_space<hbm>> -> memref<1x65xf32, #tpu.memory_space<hbm>>
      %dma_start3A_963 = tpu.memref_squeeze %dma_start3A_962 : memref<1x65xf32, #tpu.memory_space<hbm>> -> memref<65xf32, #tpu.memory_space<hbm>>
      %dma_start3A_964 = arith.constant 0 : i32
      %dma_start3A_965 = tpu.memref_slice %arg7[%add3A_949, %dma_start3A_964] : memref<160x80xf32, #tpu.memory_space<vmem>> -> memref<1x65xf32, #tpu.memory_space<vmem>>
      %dma_start3A_966 = tpu.memref_squeeze %dma_start3A_965 : memref<1x65xf32, #tpu.memory_space<vmem>> -> memref<65xf32, #tpu.memory_space<vmem>>
      tpu.enqueue_dma source(%dma_start3A_966 : memref<65xf32, #tpu.memory_space<vmem>>) target(%dma_start3A_963 : memref<65xf32, #tpu.memory_space<hbm>>) target_semaphore(%arg8 : memref<!tpu.dma_semaphore, #tpu.memory_space<semaphore_mem>>)
      %lt3A_967 = arith.constant 19 : i32
      %lt3A_968 = arith.cmpi slt, %add3A_142, %lt3A_967 : i32
      %convert_element_type3A_969 = arith.extui %lt3A_968 : i1 to i32
      %cond3A_970 = arith.constant 0 : i32
      %cond3A_971 = arith.cmpi ne, %convert_element_type3A_969, %cond3A_970 : i32
      scf.if %cond3A_971 {
        %slice3A_972 = vector.extract_strided_slice %get3A_152 {offsets = [7], sizes = [1], strides = [1]} : vector<16xi32> to vector<1xi32>
        %squeeze3A_973 = vector.extract %slice3A_972[0] : i32 from vector<1xi32>
        %and3A_974 = arith.constant -128 : i32
        %and3A_975 = arith.andi %squeeze3A_973, %and3A_974 : i32
        %multiple_of3A_976 = tpu.assume_multiple %and3A_975, 128 : i32
        %dma_start3A_977 = arith.constant 0 : i32
        %dma_start3A_978 = arith.constant 0 : i32
        %dma_start3A_979 = tpu.memref_slice %arg16[%dma_start3A_977, %dma_start3A_978] : memref<80x128xf32, #tpu.memory_space<vmem>> -> memref<65x128xf32, #tpu.memory_space<vmem>>
        %dma_start3A_980 = arith.constant 0 : i32
        %dma_start3A_981 = tpu.memref_slice %arg4[%dma_start3A_980, %multiple_of3A_976] : memref<65x1000000xf32, #tpu.memory_space<hbm>> -> memref<65x128xf32, #tpu.memory_space<hbm>>
        %dma_start3A_982 = arith.constant 0 : i32
        %dma_start3A_983 = arith.constant 0 : i32
        %dma_start3A_984 = tpu.memref_slice %arg16[%dma_start3A_982, %dma_start3A_983] : memref<80x128xf32, #tpu.memory_space<vmem>> -> memref<65x128xf32, #tpu.memory_space<vmem>>
        %dma_start3A_985 = arith.constant 0 : i32
        %dma_start3A_986 = tpu.memref_slice %arg4[%dma_start3A_985, %multiple_of3A_976] : memref<65x1000000xf32, #tpu.memory_space<hbm>> -> memref<65x128xf32, #tpu.memory_space<hbm>>
        tpu.enqueue_dma source(%dma_start3A_986 : memref<65x128xf32, #tpu.memory_space<hbm>>) target(%dma_start3A_984 : memref<65x128xf32, #tpu.memory_space<vmem>>) target_semaphore(%arg24 : memref<!tpu.dma_semaphore, #tpu.memory_space<semaphore_mem>>)
      } else {
      }
    }
    %scan3A_132 = arith.constant 20 : i32
    %scan3A_133 = arith.constant 0 : i32
    %scan3A_134 = arith.constant 160 : i32
    %scan3A_135 = arith.addi %scan3A_133, %scan3A_134 : i32
    %scan3A_136 = arith.constant 1 : i32
    scf.for %scan3A_138 = %scan3A_133 to %scan3A_135 step %scan3A_136  : i32 {
      %mul3A_139 = arith.constant 1 : i32
      %mul3A_140 = arith.muli %scan3A_138, %mul3A_139 : i32
      %add3A_141 = arith.constant 0 : i32
      %add3A_142 = arith.addi %add3A_141, %mul3A_140 : i32
      %dma_wait3A = arith.constant 0 : i32
      %dma_wait3A_143 = arith.constant 0 : i32
      %dma_wait3A_144 = tpu.memref_slice %arg7[%dma_wait3A, %dma_wait3A_143] : memref<160x80xf32, #tpu.memory_space<vmem>> -> memref<1x65xf32, #tpu.memory_space<vmem>>
      %dma_wait3A_145 = tpu.memref_squeeze %dma_wait3A_144 : memref<1x65xf32, #tpu.memory_space<vmem>> -> memref<65xf32, #tpu.memory_space<vmem>>
      %dma_wait3A_146 = arith.constant 0 : i32
      %dma_wait3A_147 = tpu.memref_slice %arg5[%mul3A_2, %dma_wait3A_146] : memref<5120x65xf32, #tpu.memory_space<hbm>> -> memref<1x65xf32, #tpu.memory_space<hbm>>
      %dma_wait3A_148 = tpu.memref_squeeze %dma_wait3A_147 : memref<1x65xf32, #tpu.memory_space<hbm>> -> memref<65xf32, #tpu.memory_space<hbm>>
      %dma_wait3A_149 = arith.constant 0 : i32
      %dma_wait3A_150 = tpu.memref_slice %arg5[%mul3A_2, %dma_wait3A_149] : memref<5120x65xf32, #tpu.memory_space<hbm>> -> memref<1x65xf32, #tpu.memory_space<hbm>>
      %dma_wait3A_151 = tpu.memref_squeeze %dma_wait3A_150 : memref<1x65xf32, #tpu.memory_space<hbm>> -> memref<65xf32, #tpu.memory_space<hbm>>
      %dma_wait3A_152 = arith.constant 0 : i32
      %dma_wait3A_153 = tpu.memref_slice %arg7[%dma_wait3A, %dma_wait3A_152] : memref<160x80xf32, #tpu.memory_space<vmem>> -> memref<1x65xf32, #tpu.memory_space<vmem>>
      %dma_wait3A_154 = tpu.memref_squeeze %dma_wait3A_153 : memref<1x65xf32, #tpu.memory_space<vmem>> -> memref<65xf32, #tpu.memory_space<vmem>>
      tpu.wait_dma2 semaphore(%arg8 : memref<!tpu.dma_semaphore, #tpu.memory_space<semaphore_mem>>) src(%dma_wait3A_154 : memref<65xf32, #tpu.memory_space<vmem>>) dst(%dma_wait3A_151 : memref<65xf32, #tpu.memory_space<hbm>>)
    }
    %scan3A_137 = arith.constant 160 : i32
    return
  }
}

module attributes {stable_mosaic.version = 14 : i64} {
  func.func @_loss_body(%arg0: i32, %arg1: memref<1024x65xf32, #tpu.memory_space<vmem>>, %arg2: memref<1024x65xf32, #tpu.memory_space<vmem>>, %arg3: memref<1024x65xf32, #tpu.memory_space<vmem>>, %arg4: memref<1024x1xi32, #tpu.memory_space<vmem>>, %arg5: memref<1x1024xi32, #tpu.memory_space<vmem>>, %arg6: memref<1024x1xf32, #tpu.memory_space<vmem>>, %arg7: memref<1x1024xf32, #tpu.memory_space<vmem>>, %arg8: memref<1x1xf32, #tpu.memory_space<smem>>) attributes {dimension_semantics = [#tpu.dimension_semantics<arbitrary>], iteration_bounds = array<i64: 4>, scalar_prefetch = 0 : i64, scratch_operands = 0 : i64, tpu.core_type = #tpu.core_type<tc>, window_params = [{transform_indices = @transform_0, window_bounds = array<i64: 1024, 65>}, {transform_indices = @transform_1, window_bounds = array<i64: 1024, 65>}, {transform_indices = @transform_2, window_bounds = array<i64: 1024, 65>}, {transform_indices = @transform_3, window_bounds = array<i64: 1024, 1>}, {pipeline_mode = #tpu.pipeline_mode<synchronous>, transform_indices = @transform_4, window_bounds = array<i64: 1, 1024>}, {transform_indices = @transform_5, window_bounds = array<i64: 1024, 1>}, {pipeline_mode = #tpu.pipeline_mode<synchronous>, transform_indices = @transform_6, window_bounds = array<i64: 1, 1024>}, {transform_indices = @transform_7, window_bounds = array<i64: 1, 1>}]} {
    %get3A = arith.constant 0 : index
    %get3A_0 = arith.constant 0 : index
    %get3A_1 = vector.load %arg1[%get3A, %get3A_0] : memref<1024x65xf32, #tpu.memory_space<vmem>>, vector<1024x65xf32>
    %get3A_2 = arith.constant 0 : index
    %get3A_3 = arith.constant 0 : index
    %get3A_4 = vector.load %arg2[%get3A_2, %get3A_3] : memref<1024x65xf32, #tpu.memory_space<vmem>>, vector<1024x65xf32>
    %get3A_5 = arith.constant 0 : index
    %get3A_6 = arith.constant 0 : index
    %get3A_7 = vector.load %arg3[%get3A_5, %get3A_6] : memref<1024x65xf32, #tpu.memory_space<vmem>>, vector<1024x65xf32>
    %mul3A = arith.mulf %get3A_1, %get3A_4 : vector<1024x65xf32>
    %reduce_sum3A = arith.constant dense<0.000000e+00> : vector<1024xf32>
    %reduce_sum3A_8 = vector.multi_reduction <add>, %mul3A, %reduce_sum3A [1] : vector<1024x65xf32> to vector<1024xf32>
    %broadcast_in_dim3A = vector.shape_cast %reduce_sum3A_8 : vector<1024xf32> to vector<1024x1xf32>
    %get3A_9 = arith.constant 0 : index
    %get3A_10 = arith.constant 0 : index
    %get3A_11 = vector.load %arg6[%get3A_9, %get3A_10] : memref<1024x1xf32, #tpu.memory_space<vmem>>, vector<1024x1xf32>
    %add3A = arith.constant 9.99999982E-14 : f32
    %add3A_12 = vector.broadcast %add3A : f32 to vector<1024x1xf32>
    %add3A_13 = arith.addf %get3A_11, %add3A_12 : vector<1024x1xf32>
    %log3A = math.log %add3A_13 : vector<1024x1xf32>
    %sub3A = arith.subf %broadcast_in_dim3A, %log3A : vector<1024x1xf32>
    %convert_element_type3A = arith.truncf %get3A_1 : vector<1024x65xf32> to vector<1024x65xbf16>
    %convert_element_type3A_14 = arith.truncf %get3A_7 : vector<1024x65xf32> to vector<1024x65xbf16>
    %dot_general3A = arith.constant dense<0.000000e+00> : vector<1024x1024xf32>
    %dot_general3A_15 = tpu.matmul %convert_element_type3A, %convert_element_type3A_14, %dot_general3A {dimension_numbers = #tpu.dot_dimension_numbers<[1], [1], [0], [0], [0, 0, 1, 0], [], []>, transpose_lhs_hint = false} : vector<1024x65xbf16>, vector<1024x65xbf16>, vector<1024x1024xf32> -> vector<1024x1024xf32>
    %get3A_16 = arith.constant 0 : index
    %get3A_17 = arith.constant 0 : index
    %get3A_18 = vector.load %arg7[%get3A_16, %get3A_17] : memref<1x1024xf32, #tpu.memory_space<vmem>>, vector<1x1024xf32>
    %add3A_19 = arith.constant 9.99999982E-14 : f32
    %add3A_20 = vector.broadcast %add3A_19 : f32 to vector<1x1024xf32>
    %add3A_21 = arith.addf %get3A_18, %add3A_20 : vector<1x1024xf32>
    %log3A_22 = math.log %add3A_21 : vector<1x1024xf32>
    %sub3A_23 = vector.broadcast %log3A_22 : vector<1x1024xf32> to vector<1024x1024xf32>
    %sub3A_24 = arith.subf %dot_general3A_15, %sub3A_23 : vector<1024x1024xf32>
    %get3A_25 = arith.constant 0 : index
    %get3A_26 = arith.constant 0 : index
    %get3A_27 = vector.load %arg4[%get3A_25, %get3A_26] : memref<1024x1xi32, #tpu.memory_space<vmem>>, vector<1024x1xi32>
    %get3A_28 = arith.constant 0 : index
    %get3A_29 = arith.constant 0 : index
    %get3A_30 = vector.load %arg5[%get3A_28, %get3A_29] : memref<1x1024xi32, #tpu.memory_space<vmem>>, vector<1x1024xi32>
    %eq3A = vector.broadcast %get3A_27 : vector<1024x1xi32> to vector<1024x1024xi32>
    %eq3A_31 = vector.broadcast %get3A_30 : vector<1x1024xi32> to vector<1024x1024xi32>
    %eq3A_32 = arith.cmpi eq, %eq3A, %eq3A_31 : vector<1024x1024xi32>
    %jit3A = arith.constant -1.000000e+04 : f32
    %broadcast_in_dim3A_33 = vector.broadcast %jit3A : f32 to vector<1024x1024xf32>
    %select_n3A = arith.select %eq3A_32, %broadcast_in_dim3A_33, %sub3A_24 : vector<1024x1024xi1>, vector<1024x1024xf32>
    %reduce_max3A = arith.constant dense<0xFF800000> : vector<1024xf32>
    %reduce_max3A_34 = vector.multi_reduction <maximumf>, %select_n3A, %reduce_max3A [1] : vector<1024x1024xf32> to vector<1024xf32>
    %broadcast_in_dim3A_35 = vector.shape_cast %reduce_max3A_34 : vector<1024xf32> to vector<1024x1xf32>
    %max3A = arith.maximumf %broadcast_in_dim3A_35, %sub3A : vector<1024x1xf32>
    %sub3A_36 = vector.broadcast %max3A : vector<1024x1xf32> to vector<1024x1024xf32>
    %sub3A_37 = arith.subf %select_n3A, %sub3A_36 : vector<1024x1024xf32>
    %exp3A = math.exp %sub3A_37 : vector<1024x1024xf32>
    %reduce_sum3A_38 = arith.constant dense<0.000000e+00> : vector<1024xf32>
    %reduce_sum3A_39 = vector.multi_reduction <add>, %exp3A, %reduce_sum3A_38 [1] : vector<1024x1024xf32> to vector<1024xf32>
    %broadcast_in_dim3A_40 = vector.shape_cast %reduce_sum3A_39 : vector<1024xf32> to vector<1024x1xf32>
    %sub3A_41 = arith.subf %sub3A, %max3A : vector<1024x1xf32>
    %exp3A_42 = math.exp %sub3A_41 : vector<1024x1xf32>
    %add3A_43 = arith.addf %broadcast_in_dim3A_40, %exp3A_42 : vector<1024x1xf32>
    %log3A_44 = math.log %add3A_43 : vector<1024x1xf32>
    %add3A_45 = arith.addf %max3A, %log3A_44 : vector<1024x1xf32>
    %sub3A_46 = arith.subf %add3A_45, %sub3A : vector<1024x1xf32>
    %reduce_sum3A_47 = vector.shape_cast %sub3A_46 : vector<1024x1xf32> to vector<1x1024x1xf32>
    %reduce_sum3A_48 = arith.constant dense<0.000000e+00> : vector<1xf32>
    %reduce_sum3A_49 = vector.multi_reduction <add>, %reduce_sum3A_47, %reduce_sum3A_48 [1, 2] : vector<1x1024x1xf32> to vector<1xf32>
    %reduce_sum3A_50 = vector.shape_cast %reduce_sum3A_49 : vector<1xf32> to vector<1x1x1xf32>
    %reduce_sum3A_51 = vector.extract %reduce_sum3A_50[0, 0, 0] : f32 from vector<1x1x1xf32>
    %eq3A_52 = arith.constant 0 : i32
    %eq3A_53 = arith.cmpi eq, %arg0, %eq3A_52 : i32
    %convert_element_type3A_54 = arith.extui %eq3A_53 : i1 to i32
    %cond3A = arith.constant 0 : i32
    %cond3A_55 = arith.cmpi ne, %convert_element_type3A_54, %cond3A : i32
    scf.if %cond3A_55 {
      %swap3A_62 = arith.constant 0.000000e+00 : f32
      %swap3A_63 = arith.constant 0 : index
      %swap3A_64 = arith.constant 0 : index
      %swap3A_65 = memref.load %arg8[%swap3A_63, %swap3A_64] : memref<1x1xf32, #tpu.memory_space<smem>>
      memref.store %swap3A_62, %arg8[%swap3A_63, %swap3A_64] : memref<1x1xf32, #tpu.memory_space<smem>>
    } else {
    }
    %get3A_56 = arith.constant 0 : index
    %get3A_57 = arith.constant 0 : index
    %get3A_58 = memref.load %arg8[%get3A_56, %get3A_57] : memref<1x1xf32, #tpu.memory_space<smem>>
    %add3A_59 = arith.addf %get3A_58, %reduce_sum3A_51 : f32
    %swap3A = arith.constant 0 : index
    %swap3A_60 = arith.constant 0 : index
    %swap3A_61 = memref.load %arg8[%swap3A, %swap3A_60] : memref<1x1xf32, #tpu.memory_space<smem>>
    memref.store %add3A_59, %arg8[%swap3A, %swap3A_60] : memref<1x1xf32, #tpu.memory_space<smem>>
    return
  }
  func.func @transform_0(%arg0: i32) -> (i32, i32) {
    %c0_i32 = arith.constant 0 : i32
    %c0_i32_0 = arith.constant 0 : i32
    return %arg0, %c0_i32 : i32, i32
  }
  func.func @transform_1(%arg0: i32) -> (i32, i32) {
    %c0_i32 = arith.constant 0 : i32
    %c0_i32_0 = arith.constant 0 : i32
    return %arg0, %c0_i32 : i32, i32
  }
  func.func @transform_2(%arg0: i32) -> (i32, i32) {
    %c4_i32 = arith.constant 4 : i32
    %c0_i32 = arith.constant 0 : i32
    %c0_i32_0 = arith.constant 0 : i32
    return %c4_i32, %c0_i32 : i32, i32
  }
  func.func @transform_3(%arg0: i32) -> (i32, i32) {
    %c0_i32 = arith.constant 0 : i32
    %c0_i32_0 = arith.constant 0 : i32
    return %arg0, %c0_i32 : i32, i32
  }
  func.func @transform_4(%arg0: i32) -> (i32, i32) {
    %c0_i32 = arith.constant 0 : i32
    %c0_i32_0 = arith.constant 0 : i32
    %c0_i32_1 = arith.constant 0 : i32
    return %c0_i32, %c0_i32_0 : i32, i32
  }
  func.func @transform_5(%arg0: i32) -> (i32, i32) {
    %c0_i32 = arith.constant 0 : i32
    %c0_i32_0 = arith.constant 0 : i32
    return %arg0, %c0_i32 : i32, i32
  }
  func.func @transform_6(%arg0: i32) -> (i32, i32) {
    %c0_i32 = arith.constant 0 : i32
    %c0_i32_0 = arith.constant 0 : i32
    %c0_i32_1 = arith.constant 0 : i32
    return %c0_i32, %c0_i32_0 : i32, i32
  }
  func.func @transform_7(%arg0: i32) -> (i32, i32) {
    %c0_i32 = arith.constant 0 : i32
    %c0_i32_0 = arith.constant 0 : i32
    %c0_i32_1 = arith.constant 0 : i32
    return %c0_i32, %c0_i32_0 : i32, i32
  }
}

</mosaic_0001>

<sc_bundles>
// kernel: kernel.4.cloned.1.call-start
scs
__scs_entry_jumppad:
0x0: {  	(pc) =	sbr.rel $0x88, $3  }
0x1: {  	(tag) =	ssettag $0x0;
	lr =	simm.s32 $0x1  }
0x2: {  	[smem:$0x3F9B] =	sst lr;
	_ =	strace $0xD0000000  }
0x3: {  	_ = 	snop  }
0x4: {  	_ = 	snop  }
0x5: {  	_ = 	snop  }
0x6: {  	_ = 	snop  }
0x7: {  	_ = 	snop  }
__scs_overlays_trampoline_lowered:
0x8: {  	[smem:$0x3FAA] =	sst s0  }
0x9: {  	[smem:$0x3FAB] =	sst s1  }
0xa: {  	[smem:$0x3FAC] =	sst s2  }
0xb: {  	[smem:$0x3FAD] =	sst s3  }
0xc: {  	[smem:$0x3FAE] =	sst s4  }
0xd: {  	[smem:$0x3FAF] =	sst s5  }
0xe: {  	[smem:$0x3FB0] =	sst s6  }
0xf: {  	[smem:$0x3FB1] =	sst s7  }
0x10: {  	[smem:$0x3FB2] =	sst s8  }
0x11: {  	[smem:$0x3FB3] =	sst s9;
	s0 =	simm.s32 @!p0 $0x0  }
0x12: {  	s1 =	sld [smem:$0x3F99];
	s0 =	simm.s32 @p0 $0x1  }
0x13: {  	[smem:$0x3FB4] =	sst s0;
	s0 =	simm.s32 @!p1 $0x0  }
0x14: {  	s2 =	sld [smem:$0x3F98];
	s0 =	simm.s32 @p1 $0x1  }
0x15: {  	[smem:$0x3FB5] =	sst s0;
	s0 =	simm.s32 @!p2 $0x0  }
0x16: {  	s3 =	sld [smem:$0x3FDB];
	s0 =	simm.s32 @p2 $0x1  }
0x17: {  	s4 =	simm.s32 $0x1BF5;
	[smem:$0x3FB7] =	sst s0  }
0x18: {  	s0 =	sld [smem:$0x3F9A];
	_ =	swait.ge [sflag:s4], $0x0  }
0x19: {  	s7 =	sld [smem:$0x3F9B]  }
0x1a: {  	s8 =	sadd.s32 $0xFFFFE003, lr  }
0x1b: {  	s9 =	sadd.s32 $0xFFFFFEF7, lr;
	s5 =	simm.s32 $0xFFFFFFFF;
	p2 =	slt.u32 s8, $0xFFFFF086  }
0x1c: {  	p1 =	slt.u32 s9, $0xF7A;
	s5 =	simm.s32 @!p2 $0x0  }
0x1d: {  	s5 =	simm.s32 @p1 $0x1;
	p0 =	seq.s32 s7, s2  }
0x1e: {  	s7 =	smul.u32 @!p0 $0xF7A, s2;
	p2 =	seq.s32 @!p0 s5, $0x0  }
0x1f: {  	s9 =	smul.u32 $0xF7A, s1;
	s8 =	simm.s32 @!p0 $0x1BF5;
	p2 =	por !p2, p0  }
0x20: {  	[sflag:s8] =	ssyncset.s32 @!p0 $0xFFFFF086;
	s6 =	sadd.s32 @!p0 s3, s7;
	s7 =	simm.s32 @!p0 $0x108  }
0x21: {  	s3 =	sadd.s32 s3, s9;
	s6 =	sadd.s32 @!p0 $0x88, s6;
	s7 =	simm.s32 @p2 $0x1082  }
0x22: {  	[simem:s7], [sflag:s8] =	dma.local @!p0 [hbm:s6], $0xF7A  }
0x23: {  	s9 =	sor.u32 $0xD0000000, s2;
	s6 =	simm.s32 $0x108;
	_ =	swait.ge @!p0 [sflag:s8], $0x0  }
0x24: {  	s3 =	sadd.s32 $0x88, s3;
	s6 =	simm.s32 @!p1 $0x1082;
	[sflag:s4] =	ssyncset.s32 $0xFFFFF086  }
0x25: {  	[simem:s6], [sflag:s4] =	dma.local [hbm:s3], $0xF7A  }
0x26: {  	[smem:$0x3F9B] =	sst s1;
	(tag) =	ssettag s2;
	_ =	strace s9  }
0x27: {  	s1 =	sld [smem:$0x3FAB]  }
0x28: {  	s2 =	sld [smem:$0x3FAC]  }
0x29: {  	s4 =	sld [smem:$0x3FAE]  }
0x2a: {  	p0 =	seq.s32 s5, $0x0;
	s5 =	sld [smem:$0x3FAF]  }
0x2b: {  	s6 =	sld [smem:$0x3FB0]  }
0x2c: {  	s7 =	sld [smem:$0x3FB1]  }
0x2d: {  	s3 =	simm.s32 $0x108;
	s8 =	sld [smem:$0x3FB2]  }
0x2e: {  	s3 =	simm.s32 @!p0 $0x1082;
	s9 =	sld [smem:$0x3FB3]  }
0x2f: {  	lr =	sadd.s32 s0, s3;
	s0 =	sld [smem:$0x3FAA]  }
0x30: {  	s3 =	sld [smem:$0x3FAD]  }
0x31: {  	[smem:$0x3FB6] =	sst s10  }
0x32: {  	s10 =	sld [smem:$0x3FB4];
	_ =	sdelay $0x3  }
0x33: {  	p0 =	seq.s32 s10, $0x1;
	s10 =	sld [smem:$0x3FB6];
	_ =	sdelay $0x3  }
0x34: {  	[smem:$0x3FB6] =	sst s10  }
0x35: {  	s10 =	sld [smem:$0x3FB5];
	_ =	sdelay $0x3  }
0x36: {  	p1 =	seq.s32 s10, $0x1;
	s10 =	sld [smem:$0x3FB6];
	_ =	sdelay $0x3  }
0x37: {  	[smem:$0x3FB6] =	sst s10  }
0x38: {  	s10 =	sld [smem:$0x3FB7]  }
0x39: {  	_ = 	snop;
	(pc) =	sbr.ind lr, $3  }
0x3a: {  	_ = 	snop  }
0x3b: {  	_ = 	snop  }
0x3c: {  	p2 =	seq.s32 s10, $0x1;
	s10 =	sld [smem:$0x3FB6]  }
0x3d: {  	_ =	shalt  }
0x3e: {  	_ =	shalt  }
0x3f: {  	_ =	shalt  }
0x40: {  	_ =	shalt  }
0x41: {  	_ =	shalt  }
0x42: {  	_ =	shalt  }
0x43: {  	_ =	shalt  }
0x44: {  	_ =	shalt  }
0x45: {  	_ =	shalt  }
0x46: {  	_ =	shalt  }
0x47: {  	_ =	shalt  }
0x48: {  	_ =	shalt  }
0x49: {  	_ =	shalt  }
0x4a: {  	_ =	shalt  }
0x4b: {  	_ =	shalt  }
0x4c: {  	_ =	shalt  }
0x4d: {  	_ =	shalt  }
0x4e: {  	_ =	shalt  }
0x4f: {  	_ =	shalt  }
0x50: {  	_ =	shalt  }
0x51: {  	_ =	shalt  }
0x52: {  	_ =	shalt  }
0x53: {  	_ =	shalt  }
0x54: {  	_ =	shalt  }
0x55: {  	_ =	shalt  }
0x56: {  	_ =	shalt  }
0x57: {  	_ =	shalt  }
0x58: {  	_ =	shalt  }
0x59: {  	_ =	shalt  }
0x5a: {  	_ =	shalt  }
0x5b: {  	_ =	shalt  }
0x5c: {  	_ =	shalt  }
0x5d: {  	_ =	shalt  }
0x5e: {  	_ =	shalt  }
0x5f: {  	_ =	shalt  }
0x60: {  	_ =	shalt  }
0x61: {  	_ =	shalt  }
0x62: {  	_ =	shalt  }
0x63: {  	_ =	shalt  }
0x64: {  	_ =	shalt  }
0x65: {  	_ =	shalt  }
0x66: {  	_ =	shalt  }
0x67: {  	_ =	shalt  }
0x68: {  	_ =	shalt  }
0x69: {  	_ =	shalt  }
0x6a: {  	_ =	shalt  }
0x6b: {  	_ =	shalt  }
0x6c: {  	_ =	shalt  }
0x6d: {  	_ =	shalt  }
0x6e: {  	_ =	shalt  }
0x6f: {  	_ =	shalt  }
0x70: {  	_ =	shalt  }
0x71: {  	_ =	shalt  }
0x72: {  	_ =	shalt  }
0x73: {  	_ =	shalt  }
0x74: {  	_ =	shalt  }
0x75: {  	_ =	shalt  }
0x76: {  	_ =	shalt  }
0x77: {  	_ =	shalt  }
0x78: {  	_ =	shalt  }
0x79: {  	_ =	shalt  }
0x7a: {  	_ =	shalt  }
0x7b: {  	_ =	shalt  }
0x7c: {  	_ =	shalt  }
0x7d: {  	_ =	shalt  }
0x7e: {  	_ =	shalt  }
0x7f: {  	_ =	shalt  }
0x80: {  	_ =	shalt  }
0x81: {  	_ =	shalt  }
0x82: {  	_ =	shalt  }
0x83: {  	_ =	shalt  }
0x84: {  	_ =	shalt  }
0x85: {  	_ =	shalt  }
0x86: {  	_ =	shalt  }
0x87: {  	_ =	shalt  }
.Lfunc_end0:
.L_simem_size_0:
called_computation_lowered:
.L_overlay_start_0:
0x88: {  	s2 =	sld [smem:$0x3FD9]  }
0x89: {  	s3 =	sld [smem:$0x3FFE];
	_ =	sdelay $0x1  }
0x8a: {  	s1 =	srdreg.scid  }
0x8b: {  	s0 =	sand.u32 $0x1, s1  }
0x8c: {  	s17 =	sshll.u32 s0, $0xA;
	s2 =	sadd.s32 s3, s2  }
0x8d: {  	s2 =	sadd.s32 s2, s17  }
0x8e: {  	[smem:$0x3FC2] =	sst s2  }
0x8f: {  	_ = 	snop  }
0x90: {  	s2 =	sld [smem:$0x3FC8]  }
0x91: {  	s18 =	sld [smem:$0x3FC7]  }
0x92: {  	s4 =	sld [smem:$0x3FC4];
	(tm) =	ssettm $0x1  }
0x93: {  	s5 =	sld [smem:$0x3FFB];
	_ =	sdelay $0x3  }
0x94: {  	_ =	strace s5  }
0x95: {  	s5 =	sld [smem:$0x3FFC];
	_ =	sdelay $0x3  }
0x96: {  	_ =	strace s5  }
0x97: {  	s5 =	sld [smem:$0x3FFD];
	_ =	sdelay $0x3  }
0x98: {  	_ =	strace s5  }
0x99: {  	_ =	strace $0x8FFFFFFF  }
0x9a: {  	s19 =	sld [smem:$0x3FDB];
	_ =	sdelay $0x1  }
0x9b: {  	s6 =	simm.s32 $_scs_section_size  }
0x9c: {  	s7 =	simm.s32 $_size__tile_overlayer_lowered;
	s8 =	simm.s32 $_tile_overlayer_lowered  }
0x9d: {  	s22 =	simm.s32 $0x1BFF;
	s21 =	sshll.u32 s8, $0x1;
	s5 =	sadd.s32 s6, s19  }
0x9e: {  	s9 =	simm.s32 $0x0;
	s20 =	sshll.u32 s7, $0x1;
	s7 =	sadd.s32 s21, s5  }
0x9f: {  	[timem:s9], [sflag:s22] =	dma.local [hbm:s7], s20  }
0xa0: {  	_ =	swait.ge [sflag:s22], s20  }
0xa1: {  	s6 =	ssub.s32 $0x0, s20;
	[sflag:s22] =	ssyncset.done $0x0  }
0xa2: {  	[sflag:s22] =	ssyncadd.s32 s6;
	_ =	sdelay $0x1  }
0xa3: {  	s23 =	simm.s32 $0x1B8B  }
0xa4: {  	_ =	swait.ge [sflag:s23], $0x1  }
0xa5: {  	[sflag:s23] =	ssyncset.done $0x0  }
0xa6: {  	s25 =	simm.s32 $0x1B8E;
	s24 =	sld [smem:$0x3FFE];
	[sflag:s23] =	ssyncadd.s32 $0xFFFFFFFF  }
0xa7: {  	s26 =	simm.s32 $execute0_lowered;
	[smem:$0x3FD2] =	sst s25  }
0xa8: {  	s7 =	sshll.u32 s26, $0x1;
	_ =	strace $0x80000046;
	[dreg:$0x1] =	wrdreg $0xFFFFFFFF  }
0xa9: {  	s28 =	simm.s32 $_size_execute0_lowered;
	s5 =	sadd.s32 s5, s7;
	[dreg:$0x0] =	wrdreg $0x0  }
0xaa: {  	s7 =	sshll.u32 s28, $0x1;
	[dreg:$0x2] =	wrdreg s5  }
0xab: {  	[dreg:$0x3] =	wrdreg s7  }
0xac: {  	[dreg:$0x4] =	wrdreg $0xC0  }
0xad: {  	_ =	task [dreg:s9], $0x5FFFF  }
0xae: {  	[dreg:$0x1] =	wrdreg $0xFFFFFFFF  }
0xaf: {  	[dreg:$0x0] =	wrdreg $0x60  }
0xb0: {  	[dreg:$0x2] =	wrdreg s2  }
0xb1: {  	[dreg:$0x3] =	wrdreg s18  }
0xb2: {  	[dreg:$0x4] =	wrdreg s4  }
0xb3: {  	[dreg:$0x5] =	wrdreg s24  }
0xb4: {  	[dreg:$0x6] =	wrdreg $0x9  }
0xb5: {  	_ =	task.clear_ibuf [dreg:s9], $0x7FFFF;
	_ =	strace $0x90000046  }
0xb6: {  	s29 =	simm.s32 $0x9;
	_ =	strace $0x80000048  }
0xb7: {  	_ =	swait.ge [sflag:s29], $0x1  }
0xb8: {  	[sflag:s29] =	ssyncadd.s32 $0xFFFFFFFF  }
0xb9: {  	_ =	strace $0x90000048  }
0xba: {  	_ =	sfence  }
0xbb: {  	s30 =	sld [smem:$0x0];
	_ =	sdelay $0x2  }
0xbc: {  	s31 =	sshll.u32 s1, $0xD;
	s1 =	sshrl.u32 s1, $0x2  }
0xbd: {  	s3 =	sand.u32 $0x4000, s31;
	s1 =	sadd.s32 s1, s30  }
0xbe: {  	s0 =	sor.u32 s3, s0;
	s1 =	sshll.u32 s1, $0x11  }
0xbf: {  	s0 =	sor.u32 s1, s0  }
0xc0: {  	s0 =	sadd.s32 $0x8F2B, s0  }
0xc1: {  	[sflag:s0] =	ssyncadd.remote.s32 $0x1  }
0xc2: {  	_ =	sfence.sel $0xFFFF  }
0xc3: {  	[dreg:$0x0] =	wrdreg $0xFFFFFFFF;
	(pc) =	sbr.abs _section_cstart, $3  }
0xc4: {  	[dreg:$0x1] =	wrdreg $0xFFFFFFFF  }
0xc5: {  	_ =	task.clear_ibuf [dreg:s9], $0x2FFFF;
	_ =	strace $0x9FFFFFFF  }
0xc6: {  	(tm) =	ssettm $0x7FFFFFFF  }
0xc7: {  	_ =	shalt  }
tec
execute0_lowered:
.L_overlay_start_1:
0x0: {  	(tag) =	ssettag $0x1  }
0x1: {  	s0 =	rddreg [dreg:$0x0]  }
0x2: {  	s10 =	rddreg [dreg:$0x1]  }
0x3: {  	s3 =	rddreg [dreg:$0x2]  }
0x4: {  	s1 =	rddreg [dreg:$0x3];
	s4 =	simm.s32 $0x0;
	s11 =	stileid.u32  }
0x5: {  	s2 =	srdreg.scid;
	s12 =	simm.s32 $0x5100;
	s14 =	simm.s32 $0x7900  }
0x6: {  	s16 =	simm.s32 $0xA100;
	s18 =	simm.s32 $0xC900;
	s20 =	simm.s32 $0xF100  }
0x7: {  	s29 =	simm.s32 $0x2;
	s30 =	simm.s32 $0x80;
	s31 =	simm.s32 $0x3  }
0x8: {  	s13 =	simm.s32 $0x7;
	s15 =	simm.s32 $0x8;
	s17 =	simm.s32 $0x9  }
0x9: {  	s19 =	simm.s32 $0x1;
	[smem:$0x7FF] =	sst s4;
	s2 =	sand.u32 $0x1, s2  }
0xa: {  	s5 =	sshll.u32 s11, $0x1;
	s6 =	smul.u32 $0x1400, s11;
	s22 =	sadd.s32 $0x1F4, s0  }
0xb: {  	p2 =	slt.u32 s11, $0xD;
	s7 =	ssub.s32 $0x2, s2;
	s5 =	sor.u32 s2, s5  }
0xc: {  	_ =	strace $0x80000047;
	[dreg:$0x5] =	wrdreg s22;
	s2 =	smul.u32 $0xA00, s2  }
0xd: {  	s22 =	simm.s32 $0x11900;
	s8 =	sshrl.u32 s7, $0x1;
	s9 =	smul.u32 $0xA0, s5  }
0xe: {  	s1 =	sadd.s32 s6, s1;
	p0 =	sgt.u32 s5, $0x18;
	s21 =	ssub.s32 s7, s8  }
0xf: {  	s26 =	sadd.s32 s2, s1;
	p1 =	sne.s32 @p0 s5, $0x19;
	s2 =	simm.s32 $0x5  }
0x10: {  	s1 =	simm.s32 $0x6;
	s23 =	sshrl.u32 s9, $0x3;
	s24 =	sadd.s32 $0xFFFFF000, s9  }
0x11: {  	v0 =	vlaneseq.u32;
	s28 =	smax.u32 s21, $0x1;
	p1 =	por p1, !p0;
	s21 =	simm.s32 $0x0  }
0x12: {  	v0 =	vmul.u32 $0x80, v0;
	s0 =	sadd.s32 s0, s23;
	s25 =	sshrl.u32 s24, $0x3;
	[dreg:$0x8] =	wrdreg s28  }
0x13: {  	s24 =	simm.s32 $0x14100;
	[dreg:$0x6] =	wrdreg s0;
	s0 =	sadd.s32 s10, s25  }
0x14: {  	v1 =	vor.u32 $0x800, v0;
	s10 =	simm.s32 $0x400;
	[dreg:$0x7] =	wrdreg s0;
	s0 =	sadd.s32 $0x1000, s26  }
0x15: {  	v2 =	vor.u32 $0x1000, v0;
	v3 =	vor.u32 $0x1800, v0;
	v4 =	vor.u32 $0x2000, v0;
	s26 =	simm.s32 $0x16900;
	[dreg:$0x9] =	wrdreg s0;
	s0 =	simm.s32 $0x4  }
.LBB2_1:
0x16: {  	s5 =	simm.s32 @!p1 $0x0;
	s6 =	rddreg [dreg:$0x5]  }
0x17: {  	[tilespmem:s5], [sflag:$0xA] =	stream.linear.gather @!p1 [hbm4b:s6+s5], $0x60, $0x38;
	[tilespmem:$0x19100] =	vst v63  }
0x18: {  	s6 =	simm.s32 @!p1 $0xA  }
0x19: {  	_ =	swait.ge @!p1 [sflag:s6], $0x60  }
0x1a: {  	[sflag:s6] =	ssyncset.done @!p1 $0x0  }
0x1b: {  	[sflag:s6] =	ssyncadd.s32 @!p1 $0xFFFFFFA0  }
0x1c: {  	s7 =	simm.s32 @!p1 $0x60;
	s8 =	rddreg [dreg:$0x1]  }
0x1d: {  	[tilespmem:s7], [sflag:$0xA] =	stream.linear.gather @!p1 [hbm4b:s8+s5], $0x40, $0x38;
	[tilespmem:$0x19100] =	vst v63  }
0x1e: {  	_ =	swait.ge @!p1 [sflag:s6], $0x40  }
0x1f: {  	[sflag:s6] =	ssyncset.done @!p1 $0x0  }
0x20: {  	s5 =	simm.s32 @!p0 $0x0;
	[sflag:s6] =	ssyncadd.s32 @!p1 $0xFFFFFFC0;
	s6 =	rddreg [dreg:$0x6]  }
0x21: {  	[tilespmem:s5], [sflag:$0xA] =	stream.linear.gather @!p0 [hbm4b:s6+s5], $0xA0, $0x38;
	[tilespmem:$0x19100] =	vst v63  }
0x22: {  	s5 =	simm.s32 @!p0 $0xA  }
0x23: {  	_ =	swait.ge @!p0 [sflag:s5], $0xA0  }
0x24: {  	[sflag:s5] =	ssyncset.done @!p0 $0x0  }
0x25: {  	s6 =	rddreg [dreg:$0x7];
	[sflag:s5] =	ssyncadd.s32 @!p0 $0xFFFFFF60;
	s5 =	simm.s32 @!p2 $0x0  }
0x26: {  	[tilespmem:s5], [sflag:$0xA] =	stream.linear.gather @!p2 [hbm4b:s6+s5], $0xA0, $0x38;
	[tilespmem:$0x19100] =	vst v63  }
0x27: {  	s5 =	simm.s32 @!p2 $0xA  }
0x28: {  	_ =	swait.ge @!p2 [sflag:s5], $0xA0  }
0x29: {  	[sflag:s5] =	ssyncset.done @!p2 $0x0  }
0x2a: {  	[sflag:s5] =	ssyncadd.s32 @!p2 $0xFFFFFF60  }
0x2b: {  	v5 =	vld [tilespmem:$0x0];
	_ =	sdelay $0x4  }
0x2c: {  	(v2sf) =	vpush v5, $0x0;
	_ =	sdelay $0x3  }
0x2d: {  	(v2sf) =	vpush v5, $0x1;
	_ =	sdelay $0x2  }
0x2e: {  	(v2sf) =	vpush v5, $0x2;
	_ =	sdelay $0x7  }
0x2f: {  	s9 =	spop (v2sf)  }
0x30: {  	(v2sf) =	vpush v5, $0x3;
	s5 =	sand.u32 $0xFFFFF80, s9  }
0x31: {  	s7 =	simm.s32 $0x7A1400;
	s5 =	sadd.s32 s3, s5  }
0x32: {  	[tilespmem:s12], [sflag:$0x2] =	stream.strided.gather [hbm4b:s5+s10], $0x2000, s7, s10, $0x38;
	[tilespmem:$0x19100] =	vst v63  }
0x33: {  	s11 =	simm.s32 $0x7100;
	s23 =	spop (v2sf);
	s5 =	sadd.s32 $0x7A1400, s5  }
0x34: {  	(v2sf) =	vpush v5, $0x4;
	[tilespmem:s11], [sflag:$0x2] =	stream.linear.gather [hbm4b:s5+s4], $0x80, $0x38;
	[tilespmem:$0x19100] =	vst v63  }
0x35: {  	s5 =	sand.u32 $0xFFFFF80, s23  }
0x36: {  	s6 =	spop (v2sf);
	s5 =	sadd.s32 s3, s5  }
0x37: {  	(v2sf) =	vpush v5, $0x5;
	[tilespmem:s14], [sflag:$0x3] =	stream.strided.gather [hbm4b:s5+s10], $0x2000, s7, s10, $0x38;
	[tilespmem:$0x19100] =	vst v63  }
0x38: {  	s25 =	simm.s32 $0x9900;
	s5 =	sadd.s32 $0x7A1400, s5  }
0x39: {  	[tilespmem:s25], [sflag:$0x3] =	stream.linear.gather [hbm4b:s5+s4], $0x80, $0x38;
	[tilespmem:$0x19100] =	vst v63  }
0x3a: {  	s5 =	sand.u32 $0xFFFFF80, s6  }
0x3b: {  	s5 =	sadd.s32 s3, s5  }
0x3c: {  	[tilespmem:s16], [sflag:$0x4] =	stream.strided.gather [hbm4b:s5+s10], $0x2000, s7, s10, $0x38;
	[tilespmem:$0x19100] =	vst v63  }
0x3d: {  	s8 =	simm.s32 $0xC100;
	s5 =	sadd.s32 $0x7A1400, s5  }
0x3e: {  	[tilespmem:s8], [sflag:$0x4] =	stream.linear.gather [hbm4b:s5+s4], $0x80, $0x38;
	[tilespmem:$0x19100] =	vst v63  }
0x3f: {  	s9 =	spop (v2sf);
	(v2sf) =	vpush v5, $0x6  }
0x40: {  	s5 =	sand.u32 $0xFFFFF80, s9  }
0x41: {  	s5 =	sadd.s32 s3, s5  }
0x42: {  	[tilespmem:s18], [sflag:$0x5] =	stream.strided.gather [hbm4b:s5+s10], $0x2000, s7, s10, $0x38;
	[tilespmem:$0x19100] =	vst v63  }
0x43: {  	s11 =	simm.s32 $0xE900;
	s23 =	spop (v2sf);
	(v2sf) =	vpush v5, $0x7;
	s5 =	sadd.s32 $0x7A1400, s5  }
0x44: {  	[tilespmem:s11], [sflag:$0x5] =	stream.linear.gather [hbm4b:s5+s4], $0x80, $0x38;
	[tilespmem:$0x19100] =	vst v63  }
0x45: {  	s5 =	sand.u32 $0xFFFFF80, s23  }
0x46: {  	s9 =	simm.s32 $0x11100;
	s25 =	spop (v2sf);
	s5 =	sadd.s32 s3, s5  }
0x47: {  	[tilespmem:s20], [sflag:$0x6] =	stream.strided.gather [hbm4b:s5+s10], $0x2000, s7, s10, $0x38;
	[tilespmem:$0x19100] =	vst v63  }
0x48: {  	s11 =	sand.u32 $0xFFFFF80, s25;
	s5 =	sadd.s32 $0x7A1400, s5  }
0x49: {  	[tilespmem:s9], [sflag:$0x6] =	stream.linear.gather [hbm4b:s5+s4], $0x80, $0x38;
	[tilespmem:$0x19100] =	vst v63  }
0x4a: {  	s5 =	sadd.s32 s3, s11  }
0x4b: {  	[tilespmem:s22], [sflag:$0x7] =	stream.strided.gather [hbm4b:s5+s10], $0x2000, s7, s10, $0x38;
	[tilespmem:$0x19100] =	vst v63  }
0x4c: {  	s25 =	simm.s32 $0x13900;
	s5 =	sadd.s32 $0x7A1400, s5  }
0x4d: {  	[tilespmem:s25], [sflag:$0x7] =	stream.linear.gather [hbm4b:s5+s4], $0x80, $0x38;
	[tilespmem:$0x19100] =	vst v63  }
0x4e: {  	s23 =	spop (v2sf)  }
0x4f: {  	s9 =	sand.u32 $0xFFFFF80, s23  }
0x50: {  	s5 =	sadd.s32 s3, s9  }
0x51: {  	[tilespmem:s24], [sflag:$0x8] =	stream.strided.gather [hbm4b:s5+s10], $0x2000, s7, s10, $0x38;
	[tilespmem:$0x19100] =	vst v63  }
0x52: {  	s11 =	simm.s32 $0x16100;
	s23 =	spop (v2sf);
	s5 =	sadd.s32 $0x7A1400, s5  }
0x53: {  	[tilespmem:s11], [sflag:$0x8] =	stream.linear.gather [hbm4b:s5+s4], $0x80, $0x38;
	[tilespmem:$0x19100] =	vst v63  }
0x54: {  	s5 =	sand.u32 $0xFFFFF80, s23  }
0x55: {  	s5 =	sadd.s32 s3, s5  }
0x56: {  	[tilespmem:s26], [sflag:$0x9] =	stream.strided.gather [hbm4b:s5+s10], $0x2000, s7, s10, $0x38;
	[tilespmem:$0x19100] =	vst v63  }
0x57: {  	s25 =	simm.s32 $0x18900;
	s5 =	sadd.s32 $0x7A1400, s5  }
0x58: {  	[tilespmem:s25], [sflag:$0x9] =	stream.linear.gather [hbm4b:s5+s4], $0x80, $0x38;
	[tilespmem:$0x19100] =	vst v63  }
0x59: {  	s28 =	simm.s32 $0x0;
	s9 =	rddreg [dreg:$0x9];
	s25 =	simm.s32 $0x8  }
.LBB2_2:
0x5a: {  	v6 =	vld [tilespmem:s25+$0xFFFFFFF8];
	_ =	sdelay $0x3  }
0x5b: {  	v5 =	vld [tilespmem:s25+$0x0];
	_ =	swait.ge [sflag:s29], $0x2080  }
0x5c: {  	(v2sf) =	vpush v6, $0x0;
	_ =	sdelay $0xe  }
0x5d: {  	s5 =	spop (v2sf)  }
0x5e: {  	s6 =	sand.u32 $0x7F, s5  }
0x5f: {  	v7 =	vor.u32 s6, v0;
	_ =	sdelay $0x2  }
0x60: {  	[sflag:s29] =	ssyncset.done $0x0  }
0x61: {  	[sflag:s29] =	ssyncadd.s32 $0xFFFFDF80  }
0x62: {  	v7 =	vld.idx.msk [tilespmem:v7+s12+$0x0], $0xffff  }
0x63: {  	v8 =	vor.u32 s6, v1;
	_ =	sdelay $0x2  }
0x64: {  	s5 =	sshra.s32 s28, $0x2  }
0x65: {  	[tilespmem:s5+$0x100] =	vst v7  }
0x66: {  	v7 =	vld.idx.msk [tilespmem:v8+s12+$0x0], $0xffff  }
0x67: {  	v37 =	vor.u32 s6, v2;
	_ =	sdelay $0x3  }
0x68: {  	[tilespmem:s5+$0x110] =	vst v7  }
0x69: {  	v7 =	vld.idx.msk [tilespmem:v37+s12+$0x0], $0xffff  }
0x6a: {  	p3 =	seq.s32 s28, $0x13000;
	v38 =	vor.u32 s6, v3  }
0x6b: {  	(v2sf) =	vpush @!p3 v5, $0x0;
	_ =	sdelay $0x2  }
0x6c: {  	[tilespmem:s5+$0x120] =	vst v7  }
0x6d: {  	v7 =	vld.idx.msk [tilespmem:v38+s12+$0x0], $0xffff  }
0x6e: {  	v39 =	vor.u32 s6, v4;
	_ =	sdelay $0x3  }
0x6f: {  	[tilespmem:s5+$0x130] =	vst v7  }
0x70: {  	v7 =	vld.idx.msk [tilespmem:v39+s12+$0x0], $0xffff;
	_ =	sdelay $0x4  }
0x71: {  	s11 =	sadd.s32 $0x100, s5;
	s6 =	spop @!p3 (v2sf);
	[tilespmem:s5+$0x140] =	vst v7  }
0x72: {  	[hbm4b:s9+s30] =	stream.strided.scatter [tilespmem:s11], [sflag:$0x1], $0x0, s10, s30, $0x38;
	[tilespmem:$0x19100] =	vst v63  }
0x73: {  	s7 =	simm.s32 @!p3 $0x7A1400;
	s6 =	sand.u32 @!p3 $0xFFFFF80, s6  }
0x74: {  	[hbm4b:s9+s4] =	stream.linear.scatter [tilespmem:s11], [sflag:$0x1], $0x41, $0x38;
	[tilespmem:$0x19100] =	vst v63  }
0x75: {  	s23 =	simm.s32 @!p3 $0x5100;
	s8 =	sadd.s32 @!p3 s3, s6;
	s6 =	simm.s32 @!p3 $0x400  }
0x76: {  	[tilespmem:s23], [sflag:$0x2] =	stream.strided.gather @!p3 [hbm4b:s8+s6], $0x2000, s7, s6, $0x38;
	[tilespmem:$0x19100] =	vst v63  }
0x77: {  	s11 =	simm.s32 @!p3 $0x7100;
	s23 =	sadd.s32 @!p3 $0x7A1400, s8;
	s8 =	simm.s32 @!p3 $0x0  }
0x78: {  	[tilespmem:s11], [sflag:$0x2] =	stream.linear.gather @!p3 [hbm4b:s23+s8], $0x80, $0x38;
	[tilespmem:$0x19100] =	vst v63  }
0x79: {  	_ =	swait.ge [sflag:s31], $0x2080  }
0x7a: {  	(v2sf) =	vpush v6, $0x1;
	_ =	sdelay $0xe  }
0x7b: {  	s23 =	spop (v2sf)  }
0x7c: {  	s11 =	sand.u32 $0x7F, s23  }
0x7d: {  	v7 =	vor.u32 s11, v0;
	_ =	sdelay $0x2  }
0x7e: {  	[sflag:s31] =	ssyncset.done $0x0  }
0x7f: {  	[sflag:s31] =	ssyncadd.s32 $0xFFFFDF80  }
0x80: {  	v7 =	vld.idx.msk [tilespmem:v7+s14+$0x0], $0xffff  }
0x81: {  	v40 =	vor.u32 s11, v1;
	_ =	sdelay $0x3  }
0x82: {  	[tilespmem:s5+$0x180] =	vst v7  }
0x83: {  	v7 =	vld.idx.msk [tilespmem:v40+s14+$0x0], $0xffff  }
0x84: {  	v41 =	vor.u32 s11, v2;
	_ =	sdelay $0x3  }
0x85: {  	[tilespmem:s5+$0x190] =	vst v7  }
0x86: {  	v7 =	vld.idx.msk [tilespmem:v41+s14+$0x0], $0xffff  }
0x87: {  	v42 =	vor.u32 s11, v3;
	_ =	sdelay $0x3  }
0x88: {  	[tilespmem:s5+$0x1A0] =	vst v7  }
0x89: {  	(v2sf) =	vpush @!p3 v5, $0x1;
	v7 =	vld.idx.msk [tilespmem:v42+s14+$0x0], $0xffff  }
0x8a: {  	v43 =	vor.u32 s11, v4;
	_ =	sdelay $0x3  }
0x8b: {  	[tilespmem:s5+$0x1B0] =	vst v7  }
0x8c: {  	v7 =	vld.idx.msk [tilespmem:v43+s14+$0x0], $0xffff;
	_ =	sdelay $0x4  }
0x8d: {  	s23 =	sadd.s32 $0x10, s9;
	s11 =	sadd.s32 $0x180, s5;
	[tilespmem:s5+$0x1C0] =	vst v7  }
0x8e: {  	[hbm4b:s23+s30] =	stream.strided.scatter [tilespmem:s11], [sflag:$0x1], $0x0, s10, s30, $0x38;
	[tilespmem:$0x19100] =	vst v63  }
0x8f: {  	_ = 	snop  }
0x90: {  	[hbm4b:s23+s4] =	stream.linear.scatter [tilespmem:s11], [sflag:$0x1], $0x41, $0x38;
	[tilespmem:$0x19100] =	vst v63  }
0x91: {  	s11 =	spop @!p3 (v2sf)  }
0x92: {  	s11 =	sand.u32 @!p3 $0xFFFFF80, s11  }
0x93: {  	s23 =	simm.s32 @!p3 $0x7900;
	s11 =	sadd.s32 @!p3 s3, s11  }
0x94: {  	[tilespmem:s23], [sflag:$0x3] =	stream.strided.gather @!p3 [hbm4b:s11+s6], $0x2000, s7, s6, $0x38;
	[tilespmem:$0x19100] =	vst v63  }
0x95: {  	s11 =	sadd.s32 @!p3 $0x7A1400, s11;
	s23 =	simm.s32 @!p3 $0x9900  }
0x96: {  	[tilespmem:s23], [sflag:$0x3] =	stream.linear.gather @!p3 [hbm4b:s11+s8], $0x80, $0x38;
	[tilespmem:$0x19100] =	vst v63  }
0x97: {  	_ =	swait.ge [sflag:s0], $0x2080  }
0x98: {  	(v2sf) =	vpush v6, $0x2;
	_ =	sdelay $0xe  }
0x99: {  	s23 =	spop (v2sf)  }
0x9a: {  	s11 =	sand.u32 $0x7F, s23  }
0x9b: {  	v7 =	vor.u32 s11, v0;
	_ =	sdelay $0x2  }
0x9c: {  	[sflag:s0] =	ssyncset.done $0x0  }
0x9d: {  	[sflag:s0] =	ssyncadd.s32 $0xFFFFDF80  }
0x9e: {  	v7 =	vld.idx.msk [tilespmem:v7+s16+$0x0], $0xffff  }
0x9f: {  	v44 =	vor.u32 s11, v1;
	_ =	sdelay $0x3  }
0xa0: {  	[tilespmem:s5+$0x200] =	vst v7  }
0xa1: {  	v7 =	vld.idx.msk [tilespmem:v44+s16+$0x0], $0xffff  }
0xa2: {  	v45 =	vor.u32 s11, v2;
	_ =	sdelay $0x3  }
0xa3: {  	[tilespmem:s5+$0x210] =	vst v7  }
0xa4: {  	v7 =	vld.idx.msk [tilespmem:v45+s16+$0x0], $0xffff  }
0xa5: {  	v46 =	vor.u32 s11, v3;
	_ =	sdelay $0x3  }
0xa6: {  	[tilespmem:s5+$0x220] =	vst v7  }
0xa7: {  	(v2sf) =	vpush @!p3 v5, $0x2;
	v7 =	vld.idx.msk [tilespmem:v46+s16+$0x0], $0xffff  }
0xa8: {  	v47 =	vor.u32 s11, v4;
	_ =	sdelay $0x3  }
0xa9: {  	[tilespmem:s5+$0x230] =	vst v7  }
0xaa: {  	v7 =	vld.idx.msk [tilespmem:v47+s16+$0x0], $0xffff;
	_ =	sdelay $0x4  }
0xab: {  	s23 =	sadd.s32 $0x20, s9;
	s11 =	sadd.s32 $0x200, s5;
	[tilespmem:s5+$0x240] =	vst v7  }
0xac: {  	[hbm4b:s23+s30] =	stream.strided.scatter [tilespmem:s11], [sflag:$0x1], $0x0, s10, s30, $0x38;
	[tilespmem:$0x19100] =	vst v63  }
0xad: {  	_ = 	snop  }
0xae: {  	[hbm4b:s23+s4] =	stream.linear.scatter [tilespmem:s11], [sflag:$0x1], $0x41, $0x38;
	[tilespmem:$0x19100] =	vst v63  }
0xaf: {  	s11 =	spop @!p3 (v2sf)  }
0xb0: {  	s11 =	sand.u32 @!p3 $0xFFFFF80, s11  }
0xb1: {  	s23 =	simm.s32 @!p3 $0xA100;
	s11 =	sadd.s32 @!p3 s3, s11  }
0xb2: {  	[tilespmem:s23], [sflag:$0x4] =	stream.strided.gather @!p3 [hbm4b:s11+s6], $0x2000, s7, s6, $0x38;
	[tilespmem:$0x19100] =	vst v63  }
0xb3: {  	s11 =	sadd.s32 @!p3 $0x7A1400, s11;
	s23 =	simm.s32 @!p3 $0xC100  }
0xb4: {  	[tilespmem:s23], [sflag:$0x4] =	stream.linear.gather @!p3 [hbm4b:s11+s8], $0x80, $0x38;
	[tilespmem:$0x19100] =	vst v63  }
0xb5: {  	_ =	swait.ge [sflag:s2], $0x2080  }
0xb6: {  	(v2sf) =	vpush v6, $0x3;
	_ =	sdelay $0xe  }
0xb7: {  	s23 =	spop (v2sf)  }
0xb8: {  	s11 =	sand.u32 $0x7F, s23  }
0xb9: {  	v7 =	vor.u32 s11, v0;
	_ =	sdelay $0x2  }
0xba: {  	[sflag:s2] =	ssyncset.done $0x0  }
0xbb: {  	[sflag:s2] =	ssyncadd.s32 $0xFFFFDF80  }
0xbc: {  	v7 =	vld.idx.msk [tilespmem:v7+s18+$0x0], $0xffff  }
0xbd: {  	v48 =	vor.u32 s11, v1;
	_ =	sdelay $0x3  }
0xbe: {  	[tilespmem:s5+$0x280] =	vst v7  }
0xbf: {  	v7 =	vld.idx.msk [tilespmem:v48+s18+$0x0], $0xffff  }
0xc0: {  	v49 =	vor.u32 s11, v2;
	_ =	sdelay $0x3  }
0xc1: {  	[tilespmem:s5+$0x290] =	vst v7  }
0xc2: {  	v7 =	vld.idx.msk [tilespmem:v49+s18+$0x0], $0xffff  }
0xc3: {  	v50 =	vor.u32 s11, v3;
	_ =	sdelay $0x3  }
0xc4: {  	[tilespmem:s5+$0x2A0] =	vst v7  }
0xc5: {  	(v2sf) =	vpush @!p3 v5, $0x3;
	v7 =	vld.idx.msk [tilespmem:v50+s18+$0x0], $0xffff  }
0xc6: {  	v51 =	vor.u32 s11, v4;
	_ =	sdelay $0x3  }
0xc7: {  	[tilespmem:s5+$0x2B0] =	vst v7  }
0xc8: {  	v7 =	vld.idx.msk [tilespmem:v51+s18+$0x0], $0xffff;
	_ =	sdelay $0x4  }
0xc9: {  	s23 =	sadd.s32 $0x30, s9;
	s11 =	sadd.s32 $0x280, s5;
	[tilespmem:s5+$0x2C0] =	vst v7  }
0xca: {  	[hbm4b:s23+s30] =	stream.strided.scatter [tilespmem:s11], [sflag:$0x1], $0x0, s10, s30, $0x38;
	[tilespmem:$0x19100] =	vst v63  }
0xcb: {  	_ = 	snop  }
0xcc: {  	[hbm4b:s23+s4] =	stream.linear.scatter [tilespmem:s11], [sflag:$0x1], $0x41, $0x38;
	[tilespmem:$0x19100] =	vst v63  }
0xcd: {  	s11 =	spop @!p3 (v2sf)  }
0xce: {  	s11 =	sand.u32 @!p3 $0xFFFFF80, s11  }
0xcf: {  	s23 =	simm.s32 @!p3 $0xC900;
	s11 =	sadd.s32 @!p3 s3, s11  }
0xd0: {  	[tilespmem:s23], [sflag:$0x5] =	stream.strided.gather @!p3 [hbm4b:s11+s6], $0x2000, s7, s6, $0x38;
	[tilespmem:$0x19100] =	vst v63  }
0xd1: {  	s11 =	sadd.s32 @!p3 $0x7A1400, s11;
	s23 =	simm.s32 @!p3 $0xE900  }
0xd2: {  	[tilespmem:s23], [sflag:$0x5] =	stream.linear.gather @!p3 [hbm4b:s11+s8], $0x80, $0x38;
	[tilespmem:$0x19100] =	vst v63  }
0xd3: {  	_ =	swait.ge [sflag:s1], $0x2080  }
0xd4: {  	(v2sf) =	vpush v6, $0x4;
	_ =	sdelay $0xe  }
0xd5: {  	s23 =	spop (v2sf)  }
0xd6: {  	s11 =	sand.u32 $0x7F, s23  }
0xd7: {  	v7 =	vor.u32 s11, v0;
	_ =	sdelay $0x2  }
0xd8: {  	[sflag:s1] =	ssyncset.done $0x0  }
0xd9: {  	[sflag:s1] =	ssyncadd.s32 $0xFFFFDF80  }
0xda: {  	v7 =	vld.idx.msk [tilespmem:v7+s20+$0x0], $0xffff  }
0xdb: {  	v52 =	vor.u32 s11, v1;
	_ =	sdelay $0x3  }
0xdc: {  	[tilespmem:s5+$0x300] =	vst v7  }
0xdd: {  	v7 =	vld.idx.msk [tilespmem:v52+s20+$0x0], $0xffff  }
0xde: {  	v53 =	vor.u32 s11, v2;
	_ =	sdelay $0x3  }
0xdf: {  	[tilespmem:s5+$0x310] =	vst v7  }
0xe0: {  	v7 =	vld.idx.msk [tilespmem:v53+s20+$0x0], $0xffff  }
0xe1: {  	v54 =	vor.u32 s11, v3;
	_ =	sdelay $0x3  }
0xe2: {  	[tilespmem:s5+$0x320] =	vst v7  }
0xe3: {  	(v2sf) =	vpush @!p3 v5, $0x4;
	v7 =	vld.idx.msk [tilespmem:v54+s20+$0x0], $0xffff  }
0xe4: {  	v55 =	vor.u32 s11, v4;
	_ =	sdelay $0x3  }
0xe5: {  	[tilespmem:s5+$0x330] =	vst v7  }
0xe6: {  	v7 =	vld.idx.msk [tilespmem:v55+s20+$0x0], $0xffff;
	_ =	sdelay $0x4  }
0xe7: {  	s23 =	sadd.s32 $0x40, s9;
	s11 =	sadd.s32 $0x300, s5;
	[tilespmem:s5+$0x340] =	vst v7  }
0xe8: {  	[hbm4b:s23+s30] =	stream.strided.scatter [tilespmem:s11], [sflag:$0x1], $0x0, s10, s30, $0x38;
	[tilespmem:$0x19100] =	vst v63  }
0xe9: {  	_ = 	snop  }
0xea: {  	[hbm4b:s23+s4] =	stream.linear.scatter [tilespmem:s11], [sflag:$0x1], $0x41, $0x38;
	[tilespmem:$0x19100] =	vst v63  }
0xeb: {  	s11 =	spop @!p3 (v2sf)  }
0xec: {  	s11 =	sand.u32 @!p3 $0xFFFFF80, s11  }
0xed: {  	s23 =	simm.s32 @!p3 $0xF100;
	s11 =	sadd.s32 @!p3 s3, s11  }
0xee: {  	[tilespmem:s23], [sflag:$0x6] =	stream.strided.gather @!p3 [hbm4b:s11+s6], $0x2000, s7, s6, $0x38;
	[tilespmem:$0x19100] =	vst v63  }
0xef: {  	s11 =	sadd.s32 @!p3 $0x7A1400, s11;
	s23 =	simm.s32 @!p3 $0x11100  }
0xf0: {  	[tilespmem:s23], [sflag:$0x6] =	stream.linear.gather @!p3 [hbm4b:s11+s8], $0x80, $0x38;
	[tilespmem:$0x19100] =	vst v63  }
0xf1: {  	_ =	swait.ge [sflag:s13], $0x2080  }
0xf2: {  	(v2sf) =	vpush v6, $0x5;
	_ =	sdelay $0xe  }
0xf3: {  	s23 =	spop (v2sf)  }
0xf4: {  	s11 =	sand.u32 $0x7F, s23  }
0xf5: {  	v7 =	vor.u32 s11, v0;
	_ =	sdelay $0x2  }
0xf6: {  	[sflag:s13] =	ssyncset.done $0x0  }
0xf7: {  	[sflag:s13] =	ssyncadd.s32 $0xFFFFDF80  }
0xf8: {  	v7 =	vld.idx.msk [tilespmem:v7+s22+$0x0], $0xffff  }
0xf9: {  	v56 =	vor.u32 s11, v1;
	_ =	sdelay $0x3  }
0xfa: {  	[tilespmem:s5+$0x380] =	vst v7  }
0xfb: {  	v7 =	vld.idx.msk [tilespmem:v56+s22+$0x0], $0xffff  }
0xfc: {  	v57 =	vor.u32 s11, v2;
	_ =	sdelay $0x3  }
0xfd: {  	[tilespmem:s5+$0x390] =	vst v7  }
0xfe: {  	v7 =	vld.idx.msk [tilespmem:v57+s22+$0x0], $0xffff  }
0xff: {  	v58 =	vor.u32 s11, v3;
	_ =	sdelay $0x3  }
0x100: {  	[tilespmem:s5+$0x3A0] =	vst v7  }
0x101: {  	(v2sf) =	vpush @!p3 v5, $0x5;
	v7 =	vld.idx.msk [tilespmem:v58+s22+$0x0], $0xffff  }
0x102: {  	v59 =	vor.u32 s11, v4;
	_ =	sdelay $0x3  }
0x103: {  	[tilespmem:s5+$0x3B0] =	vst v7  }
0x104: {  	v7 =	vld.idx.msk [tilespmem:v59+s22+$0x0], $0xffff;
	_ =	sdelay $0x4  }
0x105: {  	s23 =	sadd.s32 $0x50, s9;
	s11 =	sadd.s32 $0x380, s5;
	[tilespmem:s5+$0x3C0] =	vst v7  }
0x106: {  	[hbm4b:s23+s30] =	stream.strided.scatter [tilespmem:s11], [sflag:$0x1], $0x0, s10, s30, $0x38;
	[tilespmem:$0x19100] =	vst v63  }
0x107: {  	_ = 	snop  }
0x108: {  	[hbm4b:s23+s4] =	stream.linear.scatter [tilespmem:s11], [sflag:$0x1], $0x41, $0x38;
	[tilespmem:$0x19100] =	vst v63  }
0x109: {  	s11 =	spop @!p3 (v2sf)  }
0x10a: {  	s11 =	sand.u32 @!p3 $0xFFFFF80, s11  }
0x10b: {  	s23 =	simm.s32 @!p3 $0x11900;
	s11 =	sadd.s32 @!p3 s3, s11  }
0x10c: {  	[tilespmem:s23], [sflag:$0x7] =	stream.strided.gather @!p3 [hbm4b:s11+s6], $0x2000, s7, s6, $0x38;
	[tilespmem:$0x19100] =	vst v63  }
0x10d: {  	s11 =	sadd.s32 @!p3 $0x7A1400, s11;
	s23 =	simm.s32 @!p3 $0x13900  }
0x10e: {  	[tilespmem:s23], [sflag:$0x7] =	stream.linear.gather @!p3 [hbm4b:s11+s8], $0x80, $0x38;
	[tilespmem:$0x19100] =	vst v63  }
0x10f: {  	_ =	swait.ge [sflag:s15], $0x2080  }
0x110: {  	(v2sf) =	vpush v6, $0x6;
	_ =	sdelay $0xe  }
0x111: {  	s23 =	spop (v2sf)  }
0x112: {  	s11 =	sand.u32 $0x7F, s23  }
0x113: {  	v7 =	vor.u32 s11, v0;
	_ =	sdelay $0x2  }
0x114: {  	[sflag:s15] =	ssyncset.done $0x0  }
0x115: {  	[sflag:s15] =	ssyncadd.s32 $0xFFFFDF80  }
0x116: {  	v7 =	vld.idx.msk [tilespmem:v7+s24+$0x0], $0xffff  }
0x117: {  	v60 =	vor.u32 s11, v1;
	_ =	sdelay $0x3  }
0x118: {  	[tilespmem:s5+$0x400] =	vst v7  }
0x119: {  	v7 =	vld.idx.msk [tilespmem:v60+s24+$0x0], $0xffff  }
0x11a: {  	v61 =	vor.u32 s11, v2;
	_ =	sdelay $0x3  }
0x11b: {  	[tilespmem:s5+$0x410] =	vst v7  }
0x11c: {  	v7 =	vld.idx.msk [tilespmem:v61+s24+$0x0], $0xffff  }
0x11d: {  	v62 =	vor.u32 s11, v3;
	_ =	sdelay $0x3  }
0x11e: {  	[tilespmem:s5+$0x420] =	vst v7  }
0x11f: {  	(v2sf) =	vpush @!p3 v5, $0x6;
	v7 =	vld.idx.msk [tilespmem:v62+s24+$0x0], $0xffff  }
0x120: {  	v63 =	vor.u32 s11, v4;
	_ =	sdelay $0x3  }
0x121: {  	[tilespmem:s5+$0x430] =	vst v7  }
0x122: {  	v7 =	vld.idx.msk [tilespmem:v63+s24+$0x0], $0xffff;
	_ =	sdelay $0x4  }
0x123: {  	s23 =	sadd.s32 $0x60, s9;
	s11 =	sadd.s32 $0x400, s5;
	[tilespmem:s5+$0x440] =	vst v7  }
0x124: {  	[hbm4b:s23+s30] =	stream.strided.scatter [tilespmem:s11], [sflag:$0x1], $0x0, s10, s30, $0x38;
	[tilespmem:$0x19100] =	vst v63  }
0x125: {  	_ = 	snop  }
0x126: {  	[hbm4b:s23+s4] =	stream.linear.scatter [tilespmem:s11], [sflag:$0x1], $0x41, $0x38;
	[tilespmem:$0x19100] =	vst v63  }
0x127: {  	s11 =	spop @!p3 (v2sf)  }
0x128: {  	s11 =	sand.u32 @!p3 $0xFFFFF80, s11  }
0x129: {  	s23 =	simm.s32 @!p3 $0x14100;
	s11 =	sadd.s32 @!p3 s3, s11  }
0x12a: {  	[tilespmem:s23], [sflag:$0x8] =	stream.strided.gather @!p3 [hbm4b:s11+s6], $0x2000, s7, s6, $0x38;
	[tilespmem:$0x19100] =	vst v63  }
0x12b: {  	s11 =	sadd.s32 @!p3 $0x7A1400, s11;
	s23 =	simm.s32 @!p3 $0x16100  }
0x12c: {  	[tilespmem:s23], [sflag:$0x8] =	stream.linear.gather @!p3 [hbm4b:s11+s8], $0x80, $0x38;
	[tilespmem:$0x19100] =	vst v63  }
0x12d: {  	_ =	swait.ge [sflag:s17], $0x2080  }
0x12e: {  	(v2sf) =	vpush v6, $0x7;
	_ =	sdelay $0xe  }
0x12f: {  	s23 =	spop (v2sf)  }
0x130: {  	s11 =	sand.u32 $0x7F, s23  }
0x131: {  	v6 =	vor.u32 s11, v0;
	_ =	sdelay $0x2  }
0x132: {  	[sflag:s17] =	ssyncset.done $0x0  }
0x133: {  	[sflag:s17] =	ssyncadd.s32 $0xFFFFDF80  }
0x134: {  	v6 =	vld.idx.msk [tilespmem:v6+s26+$0x0], $0xffff  }
0x135: {  	v7 =	vor.u32 s11, v1;
	_ =	sdelay $0x3  }
0x136: {  	[tilespmem:s5+$0x480] =	vst v6  }
0x137: {  	v6 =	vld.idx.msk [tilespmem:v7+s26+$0x0], $0xffff  }
0x138: {  	v7 =	vor.u32 s11, v2;
	_ =	sdelay $0x3  }
0x139: {  	[tilespmem:s5+$0x490] =	vst v6  }
0x13a: {  	v6 =	vld.idx.msk [tilespmem:v7+s26+$0x0], $0xffff  }
0x13b: {  	v7 =	vor.u32 s11, v3;
	_ =	sdelay $0x2  }
0x13c: {  	(v2sf) =	vpush @!p3 v5, $0x7  }
0x13d: {  	[tilespmem:s5+$0x4A0] =	vst v6  }
0x13e: {  	v6 =	vld.idx.msk [tilespmem:v7+s26+$0x0], $0xffff  }
0x13f: {  	v5 =	vor.u32 s11, v4;
	_ =	sdelay $0x3  }
0x140: {  	[tilespmem:s5+$0x4B0] =	vst v6  }
0x141: {  	v5 =	vld.idx.msk [tilespmem:v5+s26+$0x0], $0xffff;
	_ =	sdelay $0x3  }
0x142: {  	s28 =	sadd.s32 @!p3 $0x1000, s28  }
0x143: {  	p4 =	sne.s32 @!p3 s28, $0x14000;
	s23 =	sadd.s32 $0x70, s9;
	s11 =	sadd.s32 $0x480, s5;
	[tilespmem:s5+$0x4C0] =	vst v5  }
0x144: {  	[hbm4b:s23+s30] =	stream.strided.scatter [tilespmem:s11], [sflag:$0x1], $0x0, s10, s30, $0x38;
	[tilespmem:$0x19100] =	vst v63  }
0x145: {  	p4 =	por p3, !p4;
	s5 =	spop @!p3 (v2sf)  }
0x146: {  	[hbm4b:s23+s4] =	stream.linear.scatter [tilespmem:s11], [sflag:$0x1], $0x41, $0x38;
	[tilespmem:$0x19100] =	vst v63  }
.Ltmp0:
0x147: {  	s5 =	sand.u32 @!p3 $0xFFFFF80, s5;
	(pc) =	sbr.rel @!p4 .LBB2_2-.Ltmp0, $4  }
0x148: {  	s25 =	sadd.s32 @!p3 $0x8, s25;
	s5 =	sadd.s32 @!p3 s3, s5;
	s11 =	simm.s32 @!p3 $0x16900  }
0x149: {  	[tilespmem:s11], [sflag:$0x9] =	stream.strided.gather @!p3 [hbm4b:s5+s6], $0x2000, s7, s6, $0x38;
	[tilespmem:$0x19100] =	vst v63  }
0x14a: {  	s9 =	sadd.s32 @!p3 $0x80, s9;
	s5 =	sadd.s32 @!p3 $0x7A1400, s5;
	s6 =	simm.s32 @!p3 $0x18900  }
0x14b: {  	[tilespmem:s6], [sflag:$0x9] =	stream.linear.gather @!p3 [hbm4b:s5+s8], $0x80, $0x38;
	[tilespmem:$0x19100] =	vst v63  }
0x14c: {  	_ =	swait.ge [sflag:s19], $0x41  }
0x14d: {  	s5 =	simm.s32 $0x9F;
	[sflag:s19] =	ssyncset.done $0x0  }
.LBB2_4:
0x14e: {  	p3 =	sne.s32 s5, $0x1;
	s5 =	sadd.s32 $0xFFFFFFFF, s5;
	[sflag:s19] =	ssyncadd.s32 $0xFFFFFFBF  }
.Ltmp1:
0x14f: {  	(pc) =	sbr.rel @p3 .LBB2_4-.Ltmp1, $3  }
0x150: {  	_ =	sdelay $0x1  }
0x151: {  	_ =	swait.ge [sflag:s19], $0x41  }
0x152: {  	[sflag:s19] =	ssyncset.done $0x0  }
0x153: {  	s21 =	sadd.s32 $0x1, s21;
	s5 =	rddreg [dreg:$0x8]  }
0x154: {  	p3 =	sne.s32 s21, s5  }
.Ltmp2:
0x155: {  	_ = 	snop;
	(pc) =	sbr.rel @p3 .LBB2_1-.Ltmp2, $2  }
0x156: {  	_ =	sdelay $0x2  }
0x157: {  	[sflag:s19] =	ssyncadd.s32 $0xFFFFFFBF  }
0x158: {  	_ =	sfence.sel $0x180000  }
0x159: {  	[bflag:$0x0] =	sbarrier.arrive $0xFFFF  }
0x15a: {  	_ =	strace $0x90000047  }
0x15b: {  	s0 =	stileid.u32;
	[bflag:$0x2] =	sbarrier.arrive $0xFFFF  }
0x15c: {  	p0 =	sne.s32 s0, $0x0;
	s0 =	rddreg [dreg:$0x4]  }
0x15d: {  	s0 =	sadd.s32 @!p0 $0x100000, s0  }
0x15e: {  	[sflag:s0] =	ssyncadd.tile.s32 @!p0 $0x1;
	_ =	shalt  }
.Lfunc_end2:
_tile_overlayer_lowered:
.L_overlay_start_2:
0x15f: {  	(tag) =	ssettag $0x2  }
0x160: {  	s0 =	rddreg [dreg:$0x0];
	s2 =	stileid.u32  }
0x161: {  	s1 =	rddreg [dreg:$0x1];
	p0 =	sne.s32 s2, $0x0  }
0x162: {  	s3 =	rddreg [dreg:$0x2];
	[bflag:$0x3] =	sbarrier.arrive $0xFFFF;
	s2 =	simm.s32 @!p0 $0x1C0A  }
0x163: {  	[timem:s3], [sflag:s2] =	dma.local @!p0 [hbm:s0], s1  }
0x164: {  	s0 =	simm.s32 @!p0 $0xA  }
0x165: {  	_ =	swait.ge @!p0 [sflag:s0], s1  }
0x166: {  	s1 =	ssub.s32 @!p0 $0x0, s1;
	[sflag:s0] =	ssyncset.done @!p0 $0x0  }
0x167: {  	[sflag:s0] =	ssyncadd.s32 @!p0 s1  }
0x168: {  	[bflag:$0x3] =	sbarrier.arrive $0xFFFF  }
0x169: {  	_ =	shalt  }

</sc_bundles>
